<compile_context>
chip_gen: v7x
topology: tpu7x:2x2x1
jax: 0.10.2.dev20260603
libtpu: 0.0.44.dev20260713+nightly
codegen_flags: <defaults>
</compile_context>

<pallas_src>
import functools

import jax
import jax.numpy as jnp
from jax import lax
from jax.experimental import pallas as pl
from jax.experimental.pallas import tpu as pltpu
from jax.experimental.pallas import tpu_sc as plsc

N = 10000
D = 128
LN_EPS = 1e-5

NC = 2
NS = 16
NW = NC * NS
CHUNK = 128
CPT = 80
EPT = CHUNK * CPT
EPAD = EPT * NW
NP = 10240
RPT = NP // NS
NBLK = 8
KB = CPT // NBLK

_mesh = plsc.VectorSubcoreMesh(core_axis_name="c", subcore_axis_name="s")


@functools.partial(
    pl.kernel,
    out_type=jax.ShapeDtypeStruct((NC * NP,), jnp.float32),
    mesh=_mesh,
    scratch_types=[
        pltpu.VMEM((NBLK, KB, CHUNK), jnp.int32),
        pltpu.VMEM((CHUNK,), jnp.float32),
        pltpu.VMEM((RPT,), jnp.float32),
        pltpu.VMEM_SHARED((NP,), jnp.float32),
        pltpu.SemaphoreType.DMA,
        pltpu.SemaphoreType.DMA,
        pltpu.SemaphoreType.DMA,
    ],
)
def _deg_kernel(dst_hbm, deg_out, dst_v, ones_v, zer_v, acc_s, sem,
                semsc0, semsc1):
    c = lax.axis_index("c")
    s = lax.axis_index("s")
    wid = c * NS + s
    cp = pltpu.async_copy(dst_hbm.at[wid], dst_v, sem)
    for k in range(CHUNK // 16):
        ones_v[pl.ds(k * 16, 16)] = jnp.ones((16,), jnp.float32)

    def zbody(k, _):
        zer_v[pl.ds(k * 16, 16)] = jnp.zeros((16,), jnp.float32)
        return 0

    lax.fori_loop(0, RPT // 16, zbody, 0)
    pltpu.sync_copy(zer_v, acc_s.at[pl.ds(s * RPT, RPT)])
    cp.wait()
    plsc.subcore_barrier()

    def body(p, _):
        j0 = 2 * p
        j1 = j0 + 1

        @pl.when(p > 0)
        def _():
            pltpu.make_async_copy(
                ones_v, acc_s.at[dst_v.at[(j0 - 2) // KB, (j0 - 2) % KB]],
                semsc0).wait()
            pltpu.make_async_copy(
                ones_v, acc_s.at[dst_v.at[(j1 - 2) // KB, (j1 - 2) % KB]],
                semsc1).wait()

        pltpu.async_copy(ones_v, acc_s.at[dst_v.at[j0 // KB, j0 % KB]],
                         semsc0, add=True)
        pltpu.async_copy(ones_v, acc_s.at[dst_v.at[j1 // KB, j1 % KB]],
                         semsc1, add=True)
        return 0

    lax.fori_loop(0, CPT // 2, body, 0)
    pltpu.make_async_copy(
        ones_v, acc_s.at[dst_v.at[(CPT - 2) // KB, (CPT - 2) % KB]],
        semsc0).wait()
    pltpu.make_async_copy(
        ones_v, acc_s.at[dst_v.at[(CPT - 1) // KB, (CPT - 1) % KB]],
        semsc1).wait()
    plsc.subcore_barrier()
    pltpu.sync_copy(acc_s.at[pl.ds(s * RPT, RPT)],
                    deg_out.at[pl.ds(c * NP + s * RPT, RPT)])


HKB = KB // 2


@functools.partial(
    pl.kernel,
    out_type=jax.ShapeDtypeStruct((NC, NP, D), jnp.float32),
    mesh=_mesh,
    scratch_types=[
        pltpu.VMEM((CPT, CHUNK), jnp.int32),
        pltpu.VMEM((2, KB, CHUNK), jnp.int32),
        pltpu.VMEM((CHUNK, D), jnp.float32),
        pltpu.VMEM((CHUNK, D), jnp.float32),
        pltpu.VMEM_SHARED((NP, D), jnp.float32),
        pltpu.SemaphoreType.DMA,
        pltpu.SemaphoreType.DMA,
        pltpu.SemaphoreType.DMA,
        pltpu.SemaphoreType.DMA,
        pltpu.SemaphoreType.DMA,
    ],
)
def _conv_kernel(y_hbm, src_hbm, dst_hbm, out_hbm, src_v, dst_v, buf0, buf1,
                 acc_s, semg0, semg1, sems0, sems1, semi):
    c = lax.axis_index("c")
    s = lax.axis_index("s")
    wid = c * NS + s
    cps = pltpu.async_copy(src_hbm.at[wid], src_v, semi)
    cpd = pltpu.async_copy(dst_hbm.at[wid, 0], dst_v.at[0], semi)

    def zbody(k, _):
        buf0[k // (D // 16), pl.ds((k % (D // 16)) * 16, 16)] = (
            jnp.zeros((16,), jnp.float32))
        return 0

    lax.fori_loop(0, CHUNK * D // 16, zbody, 0)
    for t in range(RPT // CHUNK):
        pltpu.sync_copy(buf0, acc_s.at[pl.ds(s * RPT + t * CHUNK, CHUNK)])
    cps.wait()
    cpd.wait()
    plsc.subcore_barrier()
    pltpu.async_copy(y_hbm.at[src_v.at[0]], buf0, semg0)
    pltpu.async_copy(y_hbm.at[src_v.at[1]], buf1, semg1)

    def body(p, _):
        a = 2 * p
        blk = p // HKB
        cur = blk % 2
        a_loc = (p % HKB) * 2
        at_blk_start = p % HKB == 0

        @pl.when(jnp.logical_and(at_blk_start, blk + 1 < NBLK))
        def _():
            pltpu.async_copy(dst_hbm.at[wid, blk + 1], dst_v.at[1 - cur], semi)

        @pl.when(jnp.logical_and(at_blk_start, blk > 0))
        def _():
            pltpu.make_async_copy(dst_hbm.at[wid, blk],
                                  dst_v.at[cur], semi).wait()

        pltpu.make_async_copy(y_hbm.at[src_v.at[a]], buf0, semg0).wait()
        s0 = pltpu.async_copy(buf0, acc_s.at[dst_v.at[cur, a_loc]], sems0,
                              add=True)
        pltpu.make_async_copy(y_hbm.at[src_v.at[a + 1]], buf1, semg1).wait()
        s1 = pltpu.async_copy(buf1, acc_s.at[dst_v.at[cur, a_loc + 1]], sems1,
                              add=True)
        s0.wait()

        @pl.when(a + 2 < CPT)
        def _():
            pltpu.async_copy(y_hbm.at[src_v.at[a + 2]], buf0, semg0)

        s1.wait()

        @pl.when(a + 3 < CPT)
        def _():
            pltpu.async_copy(y_hbm.at[src_v.at[a + 3]], buf1, semg1)

        return 0

    lax.fori_loop(0, CPT // 2, body, 0)
    plsc.subcore_barrier()
    pltpu.sync_copy(acc_s.at[pl.ds(s * RPT, RPT)],
                    out_hbm.at[c, pl.ds(s * RPT, RPT)])


def _ln_mm_scale_body(x_ref, w_ref, sc_ref, bi_ref, deg_ref, b_ref,
                      y_ref, r_ref):
    xv = x_ref[...]
    mu = jnp.mean(xv, axis=1, keepdims=True)
    xc = xv - mu
    var = jnp.mean(xc * xc, axis=1, keepdims=True)
    xn = xc * lax.rsqrt(var + LN_EPS) * sc_ref[...] + bi_ref[...]
    xw = jnp.dot(xn, w_ref[...], preferred_element_type=jnp.float32)
    dinv = lax.rsqrt(deg_ref[...])
    y_ref[...] = xw * dinv
    r_ref[...] = xv + b_ref[...] + dinv * dinv * xw


def _combine_body(p_ref, deg_ref, r_ref, o_ref):
    dinv = lax.rsqrt(deg_ref[...])
    agg = dinv * (p_ref[0] + p_ref[1]) + r_ref[...]
    o_ref[...] = jnp.maximum(agg, 0.0)


_BLK = 1000
_GRID = N // _BLK


def kernel(x, edge_index, edge_attr, h, batch, W, b, ln_scale, ln_bias):
    del edge_attr, batch
    f32 = jnp.float32

    e = edge_index.shape[1]
    pad = EPAD - e
    ar = jnp.arange(pad, dtype=edge_index.dtype)
    src = jnp.concatenate([edge_index[0], (ar * 37) % N]).reshape(NW, CPT, CHUNK)
    dst = jnp.concatenate([edge_index[1], N + ar % (NP - N)]).reshape(NW, NBLK, KB, CHUNK)

    deg_parts = _deg_kernel(dst)
    dp = deg_parts.reshape(NC, NP)
    deg_col = (dp[0, :N] + dp[1, :N] + 1.0).reshape(N, 1)

    y, r = pl.pallas_call(
        _ln_mm_scale_body,
        grid=(_GRID,),
        in_specs=[
            pl.BlockSpec((_BLK, D), lambda j: (j, 0)),
            pl.BlockSpec((D, D), lambda j: (0, 0)),
            pl.BlockSpec((1, D), lambda j: (0, 0)),
            pl.BlockSpec((1, D), lambda j: (0, 0)),
            pl.BlockSpec((_BLK, 1), lambda j: (j, 0)),
            pl.BlockSpec((1, D), lambda j: (0, 0)),
        ],
        out_specs=[
            pl.BlockSpec((_BLK, D), lambda j: (j, 0)),
            pl.BlockSpec((_BLK, D), lambda j: (j, 0)),
        ],
        out_shape=[
            jax.ShapeDtypeStruct((N, D), f32),
            jax.ShapeDtypeStruct((N, D), f32),
        ],
    )(x, W, ln_scale.reshape(1, D), ln_bias.reshape(1, D), deg_col,
      b.reshape(1, D))

    parts = _conv_kernel(y, src, dst)

    out = pl.pallas_call(
        _combine_body,
        grid=(_GRID,),
        in_specs=[
            pl.BlockSpec((NC, _BLK, D), lambda j: (0, j, 0)),
            pl.BlockSpec((_BLK, 1), lambda j: (j, 0)),
            pl.BlockSpec((_BLK, D), lambda j: (j, 0)),
        ],
        out_specs=pl.BlockSpec((_BLK, D), lambda j: (j, 0)),
        out_shape=jax.ShapeDtypeStruct((N, D), f32),
    )(parts, deg_col, r)

    return (out, h)

# --- scband reference (transcript-rebuilt; emitter-appended) ---
"""Pipeline reference for scband-gcn-21131239096355 (READ-ONLY COPY).

The authoritative reference and input builder live on the scoring server;
editing this copy changes nothing except your own understanding.
"""

import jax, jax.numpy as jnp
import numpy as np

N_NODES = 10000
N_EDGES = 320000
D = 128  # node_size * extend_dim = 32 * 4
D_EDGE = 16
LN_EPS = 1e-5


def setup_inputs(seed: int = 0) -> dict:
    key = jax.random.key(seed)
    ks = jax.random.split(key, 8)
    x = jax.random.normal(ks[0], (N_NODES, D), dtype=jnp.float32)
    edge_index = jax.random.randint(ks[1], (2, N_EDGES), 0, N_NODES)
    edge_attr = jax.random.normal(ks[2], (N_EDGES, D_EDGE), dtype=jnp.float32)
    h = jax.random.normal(ks[3], (N_NODES, D), dtype=jnp.float32)
    batch = jnp.sort(jax.random.randint(ks[4], (N_NODES,), 0, 64))
    # gcnconv parameters (kaiming-style init) and LayerNorm affine params
    W = jax.random.normal(ks[5], (D, D), dtype=jnp.float32) * float(1.0 / np.sqrt(D))
    b = jnp.zeros((D,), dtype=jnp.float32)
    ln_scale = jnp.ones((D,), dtype=jnp.float32)
    ln_bias = jnp.zeros((D,), dtype=jnp.float32)
    return {
        "x": x,
        "edge_index": edge_index,
        "edge_attr": edge_attr,
        "h": h,
        "batch": batch,
        "W": W,
        "b": b,
        "ln_scale": ln_scale,
        "ln_bias": ln_bias,
    }


def reference(x, edge_index, edge_attr, h, batch, W, b, ln_scale, ln_bias):
    identity = x
    # norm_block: LayerNorm (Dropout is identity in eval mode)
    mu = jnp.mean(x, axis=-1, keepdims=True)
    var = jnp.var(x, axis=-1, keepdims=True)
    xn = (x - mu) / jnp.sqrt(var + LN_EPS) * ln_scale + ln_bias
    # gcnconv: GCN convolution with added self-loops and symmetric normalization
    n = x.shape[0]
    loop = jnp.arange(n, dtype=edge_index.dtype)
    src = jnp.concatenate([edge_index[0], loop])
    dst = jnp.concatenate([edge_index[1], loop])
    xw = xn @ W
    ones = jnp.ones(dst.shape[0], dtype=xw.dtype)
    deg = jax.ops.segment_sum(ones, dst, num_segments=n)
    dinv = jnp.where(deg > 0, jax.lax.rsqrt(jnp.maximum(deg, 1e-12)), 0.0)
    norm = dinv[src] * dinv[dst]
    msg = xw[src] * norm[:, None]
    agg = jax.ops.segment_sum(msg, dst, num_segments=n)
    out = agg + b
    # residual + activation
    out = out + identity
    out = jax.nn.relu(out)
    return (out, h)

if __name__ == "__main__":
    import jax
    _d = setup_inputs()
    print(jax.jit(kernel)(*tuple(_d.values())))

</pallas_src>

<mosaic_0001>
#map = affine_map<(d0, d1) -> (0, 0, 0, 0)>
#map1 = affine_map<(d0, d1) -> (0)>
module attributes {stable_mosaic.version = 14 : i64} {
  func.func @_deg_kernel(%arg0: i32, %arg1: i32, %arg2: memref<32x8x10x128xi32, #tpu.memory_space<hbm>>, %arg3: memref<20480xf32, #tpu.memory_space<hbm>>, %arg4: memref<8x10x128xi32, #tpu.memory_space<vmem>>, %arg5: memref<128xf32, #tpu.memory_space<vmem>>, %arg6: memref<640xf32, #tpu.memory_space<vmem>>, %arg7: memref<10240xf32, #tpu.memory_space<vmem_shared>>, %arg8: memref<!tpu.dma_semaphore, #tpu.memory_space<semaphore_mem>>, %arg9: memref<!tpu.dma_semaphore, #tpu.memory_space<semaphore_mem>>, %arg10: memref<!tpu.dma_semaphore, #tpu.memory_space<semaphore_mem>>) attributes {dimension_semantics = [#tpu.dimension_semantics<core_parallel>, #tpu.dimension_semantics<subcore_parallel>], iteration_bounds = array<i64: 2, 16>, scalar_prefetch = 0 : i64, scratch_operands = 7 : i64, tpu.core_type = #tpu.core_type<sc_vector_subcore>, window_params = [{transform_indices = #map}, {transform_indices = #map1}]} {
    %mul3A = arith.constant 16 : i32
    %mul3A_0 = arith.muli %arg0, %mul3A : i32
    %add3A = arith.addi %mul3A_0, %arg1 : i32
    %dma_start3A = arith.constant 0 : i32
    %dma_start3A_1 = arith.constant 0 : i32
    %dma_start3A_2 = arith.constant 0 : i32
    %dma_start3A_3 = tpu.memref_slice %arg2[%add3A, %dma_start3A, %dma_start3A_1, %dma_start3A_2] : memref<32x8x10x128xi32, #tpu.memory_space<hbm>> -> memref<1x8x10x128xi32, #tpu.memory_space<hbm>>
    %dma_start3A_4 = tpu.memref_squeeze %dma_start3A_3 : memref<1x8x10x128xi32, #tpu.memory_space<hbm>> -> memref<8x10x128xi32, #tpu.memory_space<hbm>>
    %dma_start3A_5 = arith.constant 0 : i32
    %dma_start3A_6 = arith.constant 0 : i32
    %dma_start3A_7 = arith.constant 0 : i32
    %dma_start3A_8 = tpu.memref_slice %arg2[%add3A, %dma_start3A_5, %dma_start3A_6, %dma_start3A_7] : memref<32x8x10x128xi32, #tpu.memory_space<hbm>> -> memref<1x8x10x128xi32, #tpu.memory_space<hbm>>
    %dma_start3A_9 = tpu.memref_squeeze %dma_start3A_8 : memref<1x8x10x128xi32, #tpu.memory_space<hbm>> -> memref<8x10x128xi32, #tpu.memory_space<hbm>>
    tpu.enqueue_dma source(%dma_start3A_9 : memref<8x10x128xi32, #tpu.memory_space<hbm>>) target(%arg4 : memref<8x10x128xi32, #tpu.memory_space<vmem>>) target_semaphore(%arg8 : memref<!tpu.dma_semaphore, #tpu.memory_space<semaphore_mem>>)
    %broadcast_in_dim3A = arith.constant 1.000000e+00 : f32
    %broadcast_in_dim3A_10 = vector.broadcast %broadcast_in_dim3A : f32 to vector<16xf32>
    %swap3A = arith.constant 0 : index
    %swap3A_11 = tpu.vector_load %arg5[%swap3A] {strides = array<i32>} : memref<128xf32, #tpu.memory_space<vmem>>, vector<16xf32>,
    %swap3A_12 = vector.shape_cast %swap3A_11 : vector<16xf32> to vector<16xf32>
    %swap3A_13 = vector.shape_cast %broadcast_in_dim3A_10 : vector<16xf32> to vector<16xf32>
    tpu.vector_store %arg5[%swap3A], %swap3A_13 {strides = array<i32>} : memref<128xf32, #tpu.memory_space<vmem>>, vector<16xf32>,
    %broadcast_in_dim3A_14 = arith.constant 1.000000e+00 : f32
    %broadcast_in_dim3A_15 = vector.broadcast %broadcast_in_dim3A_14 : f32 to vector<16xf32>
    %swap3A_16 = arith.constant 16 : index
    %swap3A_17 = tpu.vector_load %arg5[%swap3A_16] {strides = array<i32>} : memref<128xf32, #tpu.memory_space<vmem>>, vector<16xf32>,
    %swap3A_18 = vector.shape_cast %swap3A_17 : vector<16xf32> to vector<16xf32>
    %swap3A_19 = vector.shape_cast %broadcast_in_dim3A_15 : vector<16xf32> to vector<16xf32>
    tpu.vector_store %arg5[%swap3A_16], %swap3A_19 {strides = array<i32>} : memref<128xf32, #tpu.memory_space<vmem>>, vector<16xf32>,
    %broadcast_in_dim3A_20 = arith.constant 1.000000e+00 : f32
    %broadcast_in_dim3A_21 = vector.broadcast %broadcast_in_dim3A_20 : f32 to vector<16xf32>
    %swap3A_22 = arith.constant 32 : index
    %swap3A_23 = tpu.vector_load %arg5[%swap3A_22] {strides = array<i32>} : memref<128xf32, #tpu.memory_space<vmem>>, vector<16xf32>,
    %swap3A_24 = vector.shape_cast %swap3A_23 : vector<16xf32> to vector<16xf32>
    %swap3A_25 = vector.shape_cast %broadcast_in_dim3A_21 : vector<16xf32> to vector<16xf32>
    tpu.vector_store %arg5[%swap3A_22], %swap3A_25 {strides = array<i32>} : memref<128xf32, #tpu.memory_space<vmem>>, vector<16xf32>,
    %broadcast_in_dim3A_26 = arith.constant 1.000000e+00 : f32
    %broadcast_in_dim3A_27 = vector.broadcast %broadcast_in_dim3A_26 : f32 to vector<16xf32>
    %swap3A_28 = arith.constant 48 : index
    %swap3A_29 = tpu.vector_load %arg5[%swap3A_28] {strides = array<i32>} : memref<128xf32, #tpu.memory_space<vmem>>, vector<16xf32>,
    %swap3A_30 = vector.shape_cast %swap3A_29 : vector<16xf32> to vector<16xf32>
    %swap3A_31 = vector.shape_cast %broadcast_in_dim3A_27 : vector<16xf32> to vector<16xf32>
    tpu.vector_store %arg5[%swap3A_28], %swap3A_31 {strides = array<i32>} : memref<128xf32, #tpu.memory_space<vmem>>, vector<16xf32>,
    %broadcast_in_dim3A_32 = arith.constant 1.000000e+00 : f32
    %broadcast_in_dim3A_33 = vector.broadcast %broadcast_in_dim3A_32 : f32 to vector<16xf32>
    %swap3A_34 = arith.constant 64 : index
    %swap3A_35 = tpu.vector_load %arg5[%swap3A_34] {strides = array<i32>} : memref<128xf32, #tpu.memory_space<vmem>>, vector<16xf32>,
    %swap3A_36 = vector.shape_cast %swap3A_35 : vector<16xf32> to vector<16xf32>
    %swap3A_37 = vector.shape_cast %broadcast_in_dim3A_33 : vector<16xf32> to vector<16xf32>
    tpu.vector_store %arg5[%swap3A_34], %swap3A_37 {strides = array<i32>} : memref<128xf32, #tpu.memory_space<vmem>>, vector<16xf32>,
    %broadcast_in_dim3A_38 = arith.constant 1.000000e+00 : f32
    %broadcast_in_dim3A_39 = vector.broadcast %broadcast_in_dim3A_38 : f32 to vector<16xf32>
    %swap3A_40 = arith.constant 80 : index
    %swap3A_41 = tpu.vector_load %arg5[%swap3A_40] {strides = array<i32>} : memref<128xf32, #tpu.memory_space<vmem>>, vector<16xf32>,
    %swap3A_42 = vector.shape_cast %swap3A_41 : vector<16xf32> to vector<16xf32>
    %swap3A_43 = vector.shape_cast %broadcast_in_dim3A_39 : vector<16xf32> to vector<16xf32>
    tpu.vector_store %arg5[%swap3A_40], %swap3A_43 {strides = array<i32>} : memref<128xf32, #tpu.memory_space<vmem>>, vector<16xf32>,
    %broadcast_in_dim3A_44 = arith.constant 1.000000e+00 : f32
    %broadcast_in_dim3A_45 = vector.broadcast %broadcast_in_dim3A_44 : f32 to vector<16xf32>
    %swap3A_46 = arith.constant 96 : index
    %swap3A_47 = tpu.vector_load %arg5[%swap3A_46] {strides = array<i32>} : memref<128xf32, #tpu.memory_space<vmem>>, vector<16xf32>,
    %swap3A_48 = vector.shape_cast %swap3A_47 : vector<16xf32> to vector<16xf32>
    %swap3A_49 = vector.shape_cast %broadcast_in_dim3A_45 : vector<16xf32> to vector<16xf32>
    tpu.vector_store %arg5[%swap3A_46], %swap3A_49 {strides = array<i32>} : memref<128xf32, #tpu.memory_space<vmem>>, vector<16xf32>,
    %broadcast_in_dim3A_50 = arith.constant 1.000000e+00 : f32
    %broadcast_in_dim3A_51 = vector.broadcast %broadcast_in_dim3A_50 : f32 to vector<16xf32>
    %swap3A_52 = arith.constant 112 : index
    %swap3A_53 = tpu.vector_load %arg5[%swap3A_52] {strides = array<i32>} : memref<128xf32, #tpu.memory_space<vmem>>, vector<16xf32>,
    %swap3A_54 = vector.shape_cast %swap3A_53 : vector<16xf32> to vector<16xf32>
    %swap3A_55 = vector.shape_cast %broadcast_in_dim3A_51 : vector<16xf32> to vector<16xf32>
    tpu.vector_store %arg5[%swap3A_52], %swap3A_55 {strides = array<i32>} : memref<128xf32, #tpu.memory_space<vmem>>, vector<16xf32>,
    %scan3A = arith.constant 0 : i32
    %scan3A_56 = arith.constant 0 : i32
    %scan3A_57 = arith.constant 40 : i32
    %scan3A_58 = arith.addi %scan3A_56, %scan3A_57 : i32
    %scan3A_59 = arith.constant 1 : i32
    %scan3A_60 = scf.for %scan3A_102 = %scan3A_56 to %scan3A_58 step %scan3A_59 iter_args(%scan3A_103 = %scan3A) -> (i32)  : i32 {
      %broadcast_in_dim3A_104 = arith.constant 0.000000e+00 : f32
      %broadcast_in_dim3A_105 = vector.broadcast %broadcast_in_dim3A_104 : f32 to vector<16xf32>
      %mul3A_106 = arith.constant 16 : i32
      %mul3A_107 = arith.muli %scan3A_102, %mul3A_106 : i32
      %swap3A_108 = arith.index_cast %mul3A_107 : i32 to index
      %swap3A_109 = tpu.vector_load %arg6[%swap3A_108] {strides = array<i32>} : memref<640xf32, #tpu.memory_space<vmem>>, vector<16xf32>,
      %swap3A_110 = vector.shape_cast %swap3A_109 : vector<16xf32> to vector<16xf32>
      %swap3A_111 = vector.shape_cast %broadcast_in_dim3A_105 : vector<16xf32> to vector<16xf32>
      tpu.vector_store %arg6[%swap3A_108], %swap3A_111 {strides = array<i32>} : memref<640xf32, #tpu.memory_space<vmem>>, vector<16xf32>,
      %scan3A_112 = arith.constant 0 : i32
      scf.yield %scan3A_112 : i32
    }
    %scan3A_61 = arith.constant 40 : i32
    %mul3A_62 = arith.constant 640 : i32
    %mul3A_63 = arith.muli %arg1, %mul3A_62 : i32
    "tpu.region"() ({
      %run_scoped3A = tpu.sem_alloc : memref<!tpu.dma_semaphore, #tpu.memory_space<semaphore_mem>>
      %dma_start3A_102 = tpu.memref_slice %arg7[%mul3A_63] : memref<10240xf32, #tpu.memory_space<vmem_shared>> -> memref<640xf32, #tpu.memory_space<vmem_shared>>
      %dma_start3A_103 = tpu.memref_slice %arg7[%mul3A_63] : memref<10240xf32, #tpu.memory_space<vmem_shared>> -> memref<640xf32, #tpu.memory_space<vmem_shared>>
      tpu.enqueue_dma source(%arg6 : memref<640xf32, #tpu.memory_space<vmem>>) target(%dma_start3A_103 : memref<640xf32, #tpu.memory_space<vmem_shared>>) target_semaphore(%run_scoped3A : memref<!tpu.dma_semaphore, #tpu.memory_space<semaphore_mem>>)
      %dma_wait3A_104 = tpu.memref_slice %arg7[%mul3A_63] : memref<10240xf32, #tpu.memory_space<vmem_shared>> -> memref<640xf32, #tpu.memory_space<vmem_shared>>
      %dma_wait3A_105 = tpu.memref_slice %arg7[%mul3A_63] : memref<10240xf32, #tpu.memory_space<vmem_shared>> -> memref<640xf32, #tpu.memory_space<vmem_shared>>
      tpu.wait_dma2 semaphore(%run_scoped3A : memref<!tpu.dma_semaphore, #tpu.memory_space<semaphore_mem>>) src(%arg6 : memref<640xf32, #tpu.memory_space<vmem>>) dst(%dma_wait3A_105 : memref<640xf32, #tpu.memory_space<vmem_shared>>)
      tpu.yield
    }) : () -> ()
    %dma_wait3A = arith.constant 0 : i32
    %dma_wait3A_64 = arith.constant 0 : i32
    %dma_wait3A_65 = arith.constant 0 : i32
    %dma_wait3A_66 = tpu.memref_slice %arg2[%add3A, %dma_wait3A, %dma_wait3A_64, %dma_wait3A_65] : memref<32x8x10x128xi32, #tpu.memory_space<hbm>> -> memref<1x8x10x128xi32, #tpu.memory_space<hbm>>
    %dma_wait3A_67 = tpu.memref_squeeze %dma_wait3A_66 : memref<1x8x10x128xi32, #tpu.memory_space<hbm>> -> memref<8x10x128xi32, #tpu.memory_space<hbm>>
    %dma_wait3A_68 = arith.constant 0 : i32
    %dma_wait3A_69 = arith.constant 0 : i32
    %dma_wait3A_70 = arith.constant 0 : i32
    %dma_wait3A_71 = tpu.memref_slice %arg2[%add3A, %dma_wait3A_68, %dma_wait3A_69, %dma_wait3A_70] : memref<32x8x10x128xi32, #tpu.memory_space<hbm>> -> memref<1x8x10x128xi32, #tpu.memory_space<hbm>>
    %dma_wait3A_72 = tpu.memref_squeeze %dma_wait3A_71 : memref<1x8x10x128xi32, #tpu.memory_space<hbm>> -> memref<8x10x128xi32, #tpu.memory_space<hbm>>
    tpu.wait_dma2 semaphore(%arg8 : memref<!tpu.dma_semaphore, #tpu.memory_space<semaphore_mem>>) src(%dma_wait3A_72 : memref<8x10x128xi32, #tpu.memory_space<hbm>>) dst(%arg4 : memref<8x10x128xi32, #tpu.memory_space<vmem>>)
    %barrier3A = arith.constant 0 : index
    tpu.barrier barrier_id(%barrier3A)
    %scan3A_73 = arith.constant 0 : i32
    %scan3A_74 = arith.constant 0 : i32
    %scan3A_75 = arith.constant 40 : i32
    %scan3A_76 = arith.addi %scan3A_74, %scan3A_75 : i32
    %scan3A_77 = arith.constant 1 : i32
    %scan3A_78 = scf.for %scan3A_102 = %scan3A_74 to %scan3A_76 step %scan3A_77 iter_args(%scan3A_103 = %scan3A_73) -> (i32)  : i32 {
      %mul3A_104 = arith.constant 2 : i32
      %mul3A_105 = arith.muli %mul3A_104, %scan3A_102 : i32
      %add3A_106 = arith.constant 1 : i32
      %add3A_107 = arith.addi %mul3A_105, %add3A_106 : i32
      %gt3A = arith.constant 0 : i32
      %gt3A_108 = arith.cmpi sgt, %scan3A_102, %gt3A : i32
      %convert_element_type3A = arith.extui %gt3A_108 : i1 to i32
      %cond3A = arith.constant 0 : i32
      %cond3A_109 = arith.cmpi ne, %convert_element_type3A, %cond3A : i32
      scf.if %cond3A_109 {
        %sub3A_191 = arith.constant 2 : i32
        %sub3A_192 = arith.subi %mul3A_105, %sub3A_191 : i32
        %jit3A_193 = arith.constant 10 : i32
        %div3A_194 = arith.divsi %sub3A_192, %jit3A_193 : i32
        %sign3A_195 = arith.constant 0 : i32
        %sign3A_196 = arith.cmpi sgt, %sub3A_192, %sign3A_195 : i32
        %sign3A_197 = arith.extui %sign3A_196 : i1 to i32
        %sign3A_198 = arith.constant 0 : i32
        %sign3A_199 = arith.cmpi slt, %sub3A_192, %sign3A_198 : i32
        %sign3A_200 = arith.extui %sign3A_199 : i1 to i32
        %sign3A_201 = arith.subi %sign3A_197, %sign3A_200 : i32
        %sign3A_202 = arith.constant 0 : i32
        %sign3A_203 = arith.cmpi sgt, %jit3A_193, %sign3A_202 : i32
        %sign3A_204 = arith.extui %sign3A_203 : i1 to i32
        %sign3A_205 = arith.constant 0 : i32
        %sign3A_206 = arith.cmpi slt, %jit3A_193, %sign3A_205 : i32
        %sign3A_207 = arith.extui %sign3A_206 : i1 to i32
        %sign3A_208 = arith.subi %sign3A_204, %sign3A_207 : i32
        %ne3A_209 = arith.cmpi ne, %sign3A_201, %sign3A_208 : i32
        %rem3A_210 = arith.remsi %sub3A_192, %jit3A_193 : i32
        %ne3A_211 = arith.constant 0 : i32
        %ne3A_212 = arith.cmpi ne, %rem3A_210, %ne3A_211 : i32
        %and3A_213 = arith.andi %ne3A_209, %ne3A_212 : i1
        %sub3A_214 = arith.constant 1 : i32
        %sub3A_215 = arith.subi %div3A_194, %sub3A_214 : i32
        %select_n3A_216 = arith.select %and3A_213, %sub3A_215, %div3A_194 : i32
        %sub3A_217 = arith.constant 2 : i32
        %sub3A_218 = arith.subi %mul3A_105, %sub3A_217 : i32
        %jit3A_219 = arith.constant 10 : i32
        %eq3A_220 = arith.constant 0 : i32
        %eq3A_221 = arith.cmpi eq, %jit3A_219, %eq3A_220 : i32
        %jit3A_222 = arith.constant 1 : i32
        %select_n3A_223 = arith.select %eq3A_221, %jit3A_222, %jit3A_219 : i32
        %rem3A_224 = arith.remsi %sub3A_218, %select_n3A_223 : i32
        %ne3A_225 = arith.constant 0 : i32
        %ne3A_226 = arith.cmpi ne, %rem3A_224, %ne3A_225 : i32
        %lt3A_227 = arith.constant 0 : i32
        %lt3A_228 = arith.cmpi slt, %rem3A_224, %lt3A_227 : i32
        %lt3A_229 = arith.constant 0 : i32
        %lt3A_230 = arith.cmpi slt, %select_n3A_223, %lt3A_229 : i32
        %ne3A_231 = arith.xori %lt3A_228, %lt3A_230 : i1
        %and3A_232 = arith.andi %ne3A_231, %ne3A_226 : i1
        %add3A_233 = arith.addi %rem3A_224, %select_n3A_223 : i32
        %select_n3A_234 = arith.select %and3A_232, %add3A_233, %rem3A_224 : i32
        %dma_wait3A_235 = arith.constant 0 : i32
        %dma_wait3A_236 = tpu.memref_slice %arg4[%select_n3A_216, %select_n3A_234, %dma_wait3A_235] : memref<8x10x128xi32, #tpu.memory_space<vmem>> -> memref<1x1x128xi32, #tpu.memory_space<vmem>>
        %dma_wait3A_237 = tpu.memref_squeeze %dma_wait3A_236 : memref<1x1x128xi32, #tpu.memory_space<vmem>> -> memref<128xi32, #tpu.memory_space<vmem>>
        %dma_wait3A_238 = arith.constant 0 : i32
        %dma_wait3A_239 = tpu.memref_slice %arg7[%dma_wait3A_238] : memref<10240xf32, #tpu.memory_space<vmem_shared>> -> memref<10240xf32, #tpu.memory_space<vmem_shared>>
        tpu.wait_indirect_dma semaphore(%arg9 : memref<!tpu.dma_semaphore, #tpu.memory_space<semaphore_mem>>) src(%arg5 : memref<128xf32, #tpu.memory_space<vmem>>) dst(%dma_wait3A_239 : memref<10240xf32, #tpu.memory_space<vmem_shared>>)
        %sub3A_240 = arith.constant 2 : i32
        %sub3A_241 = arith.subi %add3A_107, %sub3A_240 : i32
        %jit3A_242 = arith.constant 10 : i32
        %div3A_243 = arith.divsi %sub3A_241, %jit3A_242 : i32
        %sign3A_244 = arith.constant 0 : i32
        %sign3A_245 = arith.cmpi sgt, %sub3A_241, %sign3A_244 : i32
        %sign3A_246 = arith.extui %sign3A_245 : i1 to i32
        %sign3A_247 = arith.constant 0 : i32
        %sign3A_248 = arith.cmpi slt, %sub3A_241, %sign3A_247 : i32
        %sign3A_249 = arith.extui %sign3A_248 : i1 to i32
        %sign3A_250 = arith.subi %sign3A_246, %sign3A_249 : i32
        %sign3A_251 = arith.constant 0 : i32
        %sign3A_252 = arith.cmpi sgt, %jit3A_242, %sign3A_251 : i32
        %sign3A_253 = arith.extui %sign3A_252 : i1 to i32
        %sign3A_254 = arith.constant 0 : i32
        %sign3A_255 = arith.cmpi slt, %jit3A_242, %sign3A_254 : i32
        %sign3A_256 = arith.extui %sign3A_255 : i1 to i32
        %sign3A_257 = arith.subi %sign3A_253, %sign3A_256 : i32
        %ne3A_258 = arith.cmpi ne, %sign3A_250, %sign3A_257 : i32
        %rem3A_259 = arith.remsi %sub3A_241, %jit3A_242 : i32
        %ne3A_260 = arith.constant 0 : i32
        %ne3A_261 = arith.cmpi ne, %rem3A_259, %ne3A_260 : i32
        %and3A_262 = arith.andi %ne3A_258, %ne3A_261 : i1
        %sub3A_263 = arith.constant 1 : i32
        %sub3A_264 = arith.subi %div3A_243, %sub3A_263 : i32
        %select_n3A_265 = arith.select %and3A_262, %sub3A_264, %div3A_243 : i32
        %sub3A_266 = arith.constant 2 : i32
        %sub3A_267 = arith.subi %add3A_107, %sub3A_266 : i32
        %jit3A_268 = arith.constant 10 : i32
        %eq3A_269 = arith.constant 0 : i32
        %eq3A_270 = arith.cmpi eq, %jit3A_268, %eq3A_269 : i32
        %jit3A_271 = arith.constant 1 : i32
        %select_n3A_272 = arith.select %eq3A_270, %jit3A_271, %jit3A_268 : i32
        %rem3A_273 = arith.remsi %sub3A_267, %select_n3A_272 : i32
        %ne3A_274 = arith.constant 0 : i32
        %ne3A_275 = arith.cmpi ne, %rem3A_273, %ne3A_274 : i32
        %lt3A_276 = arith.constant 0 : i32
        %lt3A_277 = arith.cmpi slt, %rem3A_273, %lt3A_276 : i32
        %lt3A_278 = arith.constant 0 : i32
        %lt3A_279 = arith.cmpi slt, %select_n3A_272, %lt3A_278 : i32
        %ne3A_280 = arith.xori %lt3A_277, %lt3A_279 : i1
        %and3A_281 = arith.andi %ne3A_280, %ne3A_275 : i1
        %add3A_282 = arith.addi %rem3A_273, %select_n3A_272 : i32
        %select_n3A_283 = arith.select %and3A_281, %add3A_282, %rem3A_273 : i32
        %dma_wait3A_284 = arith.constant 0 : i32
        %dma_wait3A_285 = tpu.memref_slice %arg4[%select_n3A_265, %select_n3A_283, %dma_wait3A_284] : memref<8x10x128xi32, #tpu.memory_space<vmem>> -> memref<1x1x128xi32, #tpu.memory_space<vmem>>
        %dma_wait3A_286 = tpu.memref_squeeze %dma_wait3A_285 : memref<1x1x128xi32, #tpu.memory_space<vmem>> -> memref<128xi32, #tpu.memory_space<vmem>>
        %dma_wait3A_287 = arith.constant 0 : i32
        %dma_wait3A_288 = tpu.memref_slice %arg7[%dma_wait3A_287] : memref<10240xf32, #tpu.memory_space<vmem_shared>> -> memref<10240xf32, #tpu.memory_space<vmem_shared>>
        tpu.wait_indirect_dma semaphore(%arg10 : memref<!tpu.dma_semaphore, #tpu.memory_space<semaphore_mem>>) src(%arg5 : memref<128xf32, #tpu.memory_space<vmem>>) dst(%dma_wait3A_288 : memref<10240xf32, #tpu.memory_space<vmem_shared>>)
      } else {
      }
      %jit3A = arith.constant 10 : i32
      %div3A = arith.divsi %mul3A_105, %jit3A : i32
      %sign3A = arith.constant 0 : i32
      %sign3A_110 = arith.cmpi sgt, %mul3A_105, %sign3A : i32
      %sign3A_111 = arith.extui %sign3A_110 : i1 to i32
      %sign3A_112 = arith.constant 0 : i32
      %sign3A_113 = arith.cmpi slt, %mul3A_105, %sign3A_112 : i32
      %sign3A_114 = arith.extui %sign3A_113 : i1 to i32
      %sign3A_115 = arith.subi %sign3A_111, %sign3A_114 : i32
      %sign3A_116 = arith.constant 0 : i32
      %sign3A_117 = arith.cmpi sgt, %jit3A, %sign3A_116 : i32
      %sign3A_118 = arith.extui %sign3A_117 : i1 to i32
      %sign3A_119 = arith.constant 0 : i32
      %sign3A_120 = arith.cmpi slt, %jit3A, %sign3A_119 : i32
      %sign3A_121 = arith.extui %sign3A_120 : i1 to i32
      %sign3A_122 = arith.subi %sign3A_118, %sign3A_121 : i32
      %ne3A = arith.cmpi ne, %sign3A_115, %sign3A_122 : i32
      %rem3A = arith.remsi %mul3A_105, %jit3A : i32
      %ne3A_123 = arith.constant 0 : i32
      %ne3A_124 = arith.cmpi ne, %rem3A, %ne3A_123 : i32
      %and3A = arith.andi %ne3A, %ne3A_124 : i1
      %sub3A = arith.constant 1 : i32
      %sub3A_125 = arith.subi %div3A, %sub3A : i32
      %select_n3A = arith.select %and3A, %sub3A_125, %div3A : i32
      %jit3A_126 = arith.constant 10 : i32
      %eq3A = arith.constant 0 : i32
      %eq3A_127 = arith.cmpi eq, %jit3A_126, %eq3A : i32
      %jit3A_128 = arith.constant 1 : i32
      %select_n3A_129 = arith.select %eq3A_127, %jit3A_128, %jit3A_126 : i32
      %rem3A_130 = arith.remsi %mul3A_105, %select_n3A_129 : i32
      %ne3A_131 = arith.constant 0 : i32
      %ne3A_132 = arith.cmpi ne, %rem3A_130, %ne3A_131 : i32
      %lt3A = arith.constant 0 : i32
      %lt3A_133 = arith.cmpi slt, %rem3A_130, %lt3A : i32
      %lt3A_134 = arith.constant 0 : i32
      %lt3A_135 = arith.cmpi slt, %select_n3A_129, %lt3A_134 : i32
      %ne3A_136 = arith.xori %lt3A_133, %lt3A_135 : i1
      %and3A_137 = arith.andi %ne3A_136, %ne3A_132 : i1
      %add3A_138 = arith.addi %rem3A_130, %select_n3A_129 : i32
      %select_n3A_139 = arith.select %and3A_137, %add3A_138, %rem3A_130 : i32
      %dma_start3A_140 = arith.constant 0 : i32
      %dma_start3A_141 = tpu.memref_slice %arg4[%select_n3A, %select_n3A_139, %dma_start3A_140] : memref<8x10x128xi32, #tpu.memory_space<vmem>> -> memref<1x1x128xi32, #tpu.memory_space<vmem>>
      %dma_start3A_142 = tpu.memref_squeeze %dma_start3A_141 : memref<1x1x128xi32, #tpu.memory_space<vmem>> -> memref<128xi32, #tpu.memory_space<vmem>>
      %dma_start3A_143 = arith.constant 0 : i32
      %dma_start3A_144 = tpu.memref_slice %arg7[%dma_start3A_143] : memref<10240xf32, #tpu.memory_space<vmem_shared>> -> memref<10240xf32, #tpu.memory_space<vmem_shared>>
      tpu.enqueue_indirect_dma source(%arg5 : memref<128xf32, #tpu.memory_space<vmem>>) target(%dma_start3A_144 : memref<10240xf32, #tpu.memory_space<vmem_shared>>) offsets(%dma_start3A_142 : memref<128xi32, #tpu.memory_space<vmem>>) semaphore(%arg9 : memref<!tpu.dma_semaphore, #tpu.memory_space<semaphore_mem>>) {add = true}
      %jit3A_145 = arith.constant 10 : i32
      %div3A_146 = arith.divsi %add3A_107, %jit3A_145 : i32
      %sign3A_147 = arith.constant 0 : i32
      %sign3A_148 = arith.cmpi sgt, %add3A_107, %sign3A_147 : i32
      %sign3A_149 = arith.extui %sign3A_148 : i1 to i32
      %sign3A_150 = arith.constant 0 : i32
      %sign3A_151 = arith.cmpi slt, %add3A_107, %sign3A_150 : i32
      %sign3A_152 = arith.extui %sign3A_151 : i1 to i32
      %sign3A_153 = arith.subi %sign3A_149, %sign3A_152 : i32
      %sign3A_154 = arith.constant 0 : i32
      %sign3A_155 = arith.cmpi sgt, %jit3A_145, %sign3A_154 : i32
      %sign3A_156 = arith.extui %sign3A_155 : i1 to i32
      %sign3A_157 = arith.constant 0 : i32
      %sign3A_158 = arith.cmpi slt, %jit3A_145, %sign3A_157 : i32
      %sign3A_159 = arith.extui %sign3A_158 : i1 to i32
      %sign3A_160 = arith.subi %sign3A_156, %sign3A_159 : i32
      %ne3A_161 = arith.cmpi ne, %sign3A_153, %sign3A_160 : i32
      %rem3A_162 = arith.remsi %add3A_107, %jit3A_145 : i32
      %ne3A_163 = arith.constant 0 : i32
      %ne3A_164 = arith.cmpi ne, %rem3A_162, %ne3A_163 : i32
      %and3A_165 = arith.andi %ne3A_161, %ne3A_164 : i1
      %sub3A_166 = arith.constant 1 : i32
      %sub3A_167 = arith.subi %div3A_146, %sub3A_166 : i32
      %select_n3A_168 = arith.select %and3A_165, %sub3A_167, %div3A_146 : i32
      %jit3A_169 = arith.constant 10 : i32
      %eq3A_170 = arith.constant 0 : i32
      %eq3A_171 = arith.cmpi eq, %jit3A_169, %eq3A_170 : i32
      %jit3A_172 = arith.constant 1 : i32
      %select_n3A_173 = arith.select %eq3A_171, %jit3A_172, %jit3A_169 : i32
      %rem3A_174 = arith.remsi %add3A_107, %select_n3A_173 : i32
      %ne3A_175 = arith.constant 0 : i32
      %ne3A_176 = arith.cmpi ne, %rem3A_174, %ne3A_175 : i32
      %lt3A_177 = arith.constant 0 : i32
      %lt3A_178 = arith.cmpi slt, %rem3A_174, %lt3A_177 : i32
      %lt3A_179 = arith.constant 0 : i32
      %lt3A_180 = arith.cmpi slt, %select_n3A_173, %lt3A_179 : i32
      %ne3A_181 = arith.xori %lt3A_178, %lt3A_180 : i1
      %and3A_182 = arith.andi %ne3A_181, %ne3A_176 : i1
      %add3A_183 = arith.addi %rem3A_174, %select_n3A_173 : i32
      %select_n3A_184 = arith.select %and3A_182, %add3A_183, %rem3A_174 : i32
      %dma_start3A_185 = arith.constant 0 : i32
      %dma_start3A_186 = tpu.memref_slice %arg4[%select_n3A_168, %select_n3A_184, %dma_start3A_185] : memref<8x10x128xi32, #tpu.memory_space<vmem>> -> memref<1x1x128xi32, #tpu.memory_space<vmem>>
      %dma_start3A_187 = tpu.memref_squeeze %dma_start3A_186 : memref<1x1x128xi32, #tpu.memory_space<vmem>> -> memref<128xi32, #tpu.memory_space<vmem>>
      %dma_start3A_188 = arith.constant 0 : i32
      %dma_start3A_189 = tpu.memref_slice %arg7[%dma_start3A_188] : memref<10240xf32, #tpu.memory_space<vmem_shared>> -> memref<10240xf32, #tpu.memory_space<vmem_shared>>
      tpu.enqueue_indirect_dma source(%arg5 : memref<128xf32, #tpu.memory_space<vmem>>) target(%dma_start3A_189 : memref<10240xf32, #tpu.memory_space<vmem_shared>>) offsets(%dma_start3A_187 : memref<128xi32, #tpu.memory_space<vmem>>) semaphore(%arg10 : memref<!tpu.dma_semaphore, #tpu.memory_space<semaphore_mem>>) {add = true}
      %scan3A_190 = arith.constant 0 : i32
      scf.yield %scan3A_190 : i32
    }
    %scan3A_79 = arith.constant 40 : i32
    %dma_wait3A_80 = arith.constant 7 : i32
    %dma_wait3A_81 = arith.constant 8 : i32
    %dma_wait3A_82 = arith.constant 0 : i32
    %dma_wait3A_83 = tpu.memref_slice %arg4[%dma_wait3A_80, %dma_wait3A_81, %dma_wait3A_82] : memref<8x10x128xi32, #tpu.memory_space<vmem>> -> memref<1x1x128xi32, #tpu.memory_space<vmem>>
    %dma_wait3A_84 = tpu.memref_squeeze %dma_wait3A_83 : memref<1x1x128xi32, #tpu.memory_space<vmem>> -> memref<128xi32, #tpu.memory_space<vmem>>
    %dma_wait3A_85 = arith.constant 0 : i32
    %dma_wait3A_86 = tpu.memref_slice %arg7[%dma_wait3A_85] : memref<10240xf32, #tpu.memory_space<vmem_shared>> -> memref<10240xf32, #tpu.memory_space<vmem_shared>>
    tpu.wait_indirect_dma semaphore(%arg9 : memref<!tpu.dma_semaphore, #tpu.memory_space<semaphore_mem>>) src(%arg5 : memref<128xf32, #tpu.memory_space<vmem>>) dst(%dma_wait3A_86 : memref<10240xf32, #tpu.memory_space<vmem_shared>>)
    %dma_wait3A_87 = arith.constant 7 : i32
    %dma_wait3A_88 = arith.constant 9 : i32
    %dma_wait3A_89 = arith.constant 0 : i32
    %dma_wait3A_90 = tpu.memref_slice %arg4[%dma_wait3A_87, %dma_wait3A_88, %dma_wait3A_89] : memref<8x10x128xi32, #tpu.memory_space<vmem>> -> memref<1x1x128xi32, #tpu.memory_space<vmem>>
    %dma_wait3A_91 = tpu.memref_squeeze %dma_wait3A_90 : memref<1x1x128xi32, #tpu.memory_space<vmem>> -> memref<128xi32, #tpu.memory_space<vmem>>
    %dma_wait3A_92 = arith.constant 0 : i32
    %dma_wait3A_93 = tpu.memref_slice %arg7[%dma_wait3A_92] : memref<10240xf32, #tpu.memory_space<vmem_shared>> -> memref<10240xf32, #tpu.memory_space<vmem_shared>>
    tpu.wait_indirect_dma semaphore(%arg10 : memref<!tpu.dma_semaphore, #tpu.memory_space<semaphore_mem>>) src(%arg5 : memref<128xf32, #tpu.memory_space<vmem>>) dst(%dma_wait3A_93 : memref<10240xf32, #tpu.memory_space<vmem_shared>>)
    %barrier3A_94 = arith.constant 0 : index
    tpu.barrier barrier_id(%barrier3A_94)
    %mul3A_95 = arith.constant 640 : i32
    %mul3A_96 = arith.muli %arg1, %mul3A_95 : i32
    %mul3A_97 = arith.constant 10240 : i32
    %mul3A_98 = arith.muli %arg0, %mul3A_97 : i32
    %mul3A_99 = arith.constant 640 : i32
    %mul3A_100 = arith.muli %arg1, %mul3A_99 : i32
    %add3A_101 = arith.addi %mul3A_98, %mul3A_100 : i32
    "tpu.region"() ({
      %run_scoped3A = tpu.sem_alloc : memref<!tpu.dma_semaphore, #tpu.memory_space<semaphore_mem>>
      %dma_start3A_102 = tpu.memref_slice %arg3[%add3A_101] : memref<20480xf32, #tpu.memory_space<hbm>> -> memref<640xf32, #tpu.memory_space<hbm>>
      %dma_start3A_103 = tpu.memref_slice %arg7[%mul3A_96] : memref<10240xf32, #tpu.memory_space<vmem_shared>> -> memref<640xf32, #tpu.memory_space<vmem_shared>>
      tpu.enqueue_dma source(%dma_start3A_103 : memref<640xf32, #tpu.memory_space<vmem_shared>>) target(%dma_start3A_102 : memref<640xf32, #tpu.memory_space<hbm>>) target_semaphore(%run_scoped3A : memref<!tpu.dma_semaphore, #tpu.memory_space<semaphore_mem>>)
      %dma_wait3A_104 = tpu.memref_slice %arg3[%add3A_101] : memref<20480xf32, #tpu.memory_space<hbm>> -> memref<640xf32, #tpu.memory_space<hbm>>
      %dma_wait3A_105 = tpu.memref_slice %arg7[%mul3A_96] : memref<10240xf32, #tpu.memory_space<vmem_shared>> -> memref<640xf32, #tpu.memory_space<vmem_shared>>
      tpu.wait_dma2 semaphore(%run_scoped3A : memref<!tpu.dma_semaphore, #tpu.memory_space<semaphore_mem>>) src(%dma_wait3A_105 : memref<640xf32, #tpu.memory_space<vmem_shared>>) dst(%dma_wait3A_104 : memref<640xf32, #tpu.memory_space<hbm>>)
      tpu.yield
    }) : () -> ()
    return
  }
}

#map = affine_map<(d0, d1) -> (0, 0)>
#map1 = affine_map<(d0, d1) -> (0, 0, 0)>
#map2 = affine_map<(d0, d1) -> (0, 0, 0, 0)>
module attributes {stable_mosaic.version = 14 : i64} {
  func.func @_conv_kernel(%arg0: i32, %arg1: i32, %arg2: memref<10000x128xf32, #tpu.memory_space<hbm>>, %arg3: memref<32x80x128xi32, #tpu.memory_space<hbm>>, %arg4: memref<32x8x10x128xi32, #tpu.memory_space<hbm>>, %arg5: memref<2x10240x128xf32, #tpu.memory_space<hbm>>, %arg6: memref<80x128xi32, #tpu.memory_space<vmem>>, %arg7: memref<2x10x128xi32, #tpu.memory_space<vmem>>, %arg8: memref<128x128xf32, #tpu.memory_space<vmem>>, %arg9: memref<128x128xf32, #tpu.memory_space<vmem>>, %arg10: memref<10240x128xf32, #tpu.memory_space<vmem_shared>>, %arg11: memref<!tpu.dma_semaphore, #tpu.memory_space<semaphore_mem>>, %arg12: memref<!tpu.dma_semaphore, #tpu.memory_space<semaphore_mem>>, %arg13: memref<!tpu.dma_semaphore, #tpu.memory_space<semaphore_mem>>, %arg14: memref<!tpu.dma_semaphore, #tpu.memory_space<semaphore_mem>>, %arg15: memref<!tpu.dma_semaphore, #tpu.memory_space<semaphore_mem>>) attributes {dimension_semantics = [#tpu.dimension_semantics<core_parallel>, #tpu.dimension_semantics<subcore_parallel>], iteration_bounds = array<i64: 2, 16>, scalar_prefetch = 0 : i64, scratch_operands = 10 : i64, tpu.core_type = #tpu.core_type<sc_vector_subcore>, window_params = [{transform_indices = #map}, {transform_indices = #map1}, {transform_indices = #map2}, {transform_indices = #map1}]} {
    %mul3A = arith.constant 16 : i32
    %mul3A_0 = arith.muli %arg0, %mul3A : i32
    %add3A = arith.addi %mul3A_0, %arg1 : i32
    %dma_start3A = arith.constant 0 : i32
    %dma_start3A_1 = arith.constant 0 : i32
    %dma_start3A_2 = tpu.memref_slice %arg3[%add3A, %dma_start3A, %dma_start3A_1] : memref<32x80x128xi32, #tpu.memory_space<hbm>> -> memref<1x80x128xi32, #tpu.memory_space<hbm>>
    %dma_start3A_3 = tpu.memref_squeeze %dma_start3A_2 : memref<1x80x128xi32, #tpu.memory_space<hbm>> -> memref<80x128xi32, #tpu.memory_space<hbm>>
    %dma_start3A_4 = arith.constant 0 : i32
    %dma_start3A_5 = arith.constant 0 : i32
    %dma_start3A_6 = tpu.memref_slice %arg3[%add3A, %dma_start3A_4, %dma_start3A_5] : memref<32x80x128xi32, #tpu.memory_space<hbm>> -> memref<1x80x128xi32, #tpu.memory_space<hbm>>
    %dma_start3A_7 = tpu.memref_squeeze %dma_start3A_6 : memref<1x80x128xi32, #tpu.memory_space<hbm>> -> memref<80x128xi32, #tpu.memory_space<hbm>>
    tpu.enqueue_dma source(%dma_start3A_7 : memref<80x128xi32, #tpu.memory_space<hbm>>) target(%arg6 : memref<80x128xi32, #tpu.memory_space<vmem>>) target_semaphore(%arg15 : memref<!tpu.dma_semaphore, #tpu.memory_space<semaphore_mem>>)
    %dma_start3A_8 = arith.constant 0 : i32
    %dma_start3A_9 = arith.constant 0 : i32
    %dma_start3A_10 = arith.constant 0 : i32
    %dma_start3A_11 = arith.constant 0 : i32
    %dma_start3A_12 = tpu.memref_slice %arg7[%dma_start3A_9, %dma_start3A_10, %dma_start3A_11] : memref<2x10x128xi32, #tpu.memory_space<vmem>> -> memref<1x10x128xi32, #tpu.memory_space<vmem>>
    %dma_start3A_13 = tpu.memref_squeeze %dma_start3A_12 : memref<1x10x128xi32, #tpu.memory_space<vmem>> -> memref<10x128xi32, #tpu.memory_space<vmem>>
    %dma_start3A_14 = arith.constant 0 : i32
    %dma_start3A_15 = arith.constant 0 : i32
    %dma_start3A_16 = tpu.memref_slice %arg4[%add3A, %dma_start3A_8, %dma_start3A_14, %dma_start3A_15] : memref<32x8x10x128xi32, #tpu.memory_space<hbm>> -> memref<1x1x10x128xi32, #tpu.memory_space<hbm>>
    %dma_start3A_17 = tpu.memref_squeeze %dma_start3A_16 : memref<1x1x10x128xi32, #tpu.memory_space<hbm>> -> memref<10x128xi32, #tpu.memory_space<hbm>>
    %dma_start3A_18 = arith.constant 0 : i32
    %dma_start3A_19 = arith.constant 0 : i32
    %dma_start3A_20 = tpu.memref_slice %arg7[%dma_start3A_9, %dma_start3A_18, %dma_start3A_19] : memref<2x10x128xi32, #tpu.memory_space<vmem>> -> memref<1x10x128xi32, #tpu.memory_space<vmem>>
    %dma_start3A_21 = tpu.memref_squeeze %dma_start3A_20 : memref<1x10x128xi32, #tpu.memory_space<vmem>> -> memref<10x128xi32, #tpu.memory_space<vmem>>
    %dma_start3A_22 = arith.constant 0 : i32
    %dma_start3A_23 = arith.constant 0 : i32
    %dma_start3A_24 = tpu.memref_slice %arg4[%add3A, %dma_start3A_8, %dma_start3A_22, %dma_start3A_23] : memref<32x8x10x128xi32, #tpu.memory_space<hbm>> -> memref<1x1x10x128xi32, #tpu.memory_space<hbm>>
    %dma_start3A_25 = tpu.memref_squeeze %dma_start3A_24 : memref<1x1x10x128xi32, #tpu.memory_space<hbm>> -> memref<10x128xi32, #tpu.memory_space<hbm>>
    tpu.enqueue_dma source(%dma_start3A_25 : memref<10x128xi32, #tpu.memory_space<hbm>>) target(%dma_start3A_21 : memref<10x128xi32, #tpu.memory_space<vmem>>) target_semaphore(%arg15 : memref<!tpu.dma_semaphore, #tpu.memory_space<semaphore_mem>>)
    %scan3A = arith.constant 0 : i32
    %scan3A_26 = arith.constant 0 : i32
    %scan3A_27 = arith.constant 1024 : i32
    %scan3A_28 = arith.addi %scan3A_26, %scan3A_27 : i32
    %scan3A_29 = arith.constant 1 : i32
    %scan3A_30 = scf.for %scan3A_103 = %scan3A_26 to %scan3A_28 step %scan3A_29 iter_args(%scan3A_104 = %scan3A) -> (i32)  : i32 {
      %broadcast_in_dim3A = arith.constant 0.000000e+00 : f32
      %broadcast_in_dim3A_105 = vector.broadcast %broadcast_in_dim3A : f32 to vector<16xf32>
      %jit3A = arith.constant 8 : i32
      %div3A = arith.divsi %scan3A_103, %jit3A : i32
      %sign3A = arith.constant 0 : i32
      %sign3A_106 = arith.cmpi sgt, %scan3A_103, %sign3A : i32
      %sign3A_107 = arith.extui %sign3A_106 : i1 to i32
      %sign3A_108 = arith.constant 0 : i32
      %sign3A_109 = arith.cmpi slt, %scan3A_103, %sign3A_108 : i32
      %sign3A_110 = arith.extui %sign3A_109 : i1 to i32
      %sign3A_111 = arith.subi %sign3A_107, %sign3A_110 : i32
      %sign3A_112 = arith.constant 0 : i32
      %sign3A_113 = arith.cmpi sgt, %jit3A, %sign3A_112 : i32
      %sign3A_114 = arith.extui %sign3A_113 : i1 to i32
      %sign3A_115 = arith.constant 0 : i32
      %sign3A_116 = arith.cmpi slt, %jit3A, %sign3A_115 : i32
      %sign3A_117 = arith.extui %sign3A_116 : i1 to i32
      %sign3A_118 = arith.subi %sign3A_114, %sign3A_117 : i32
      %ne3A = arith.cmpi ne, %sign3A_111, %sign3A_118 : i32
      %rem3A = arith.remsi %scan3A_103, %jit3A : i32
      %ne3A_119 = arith.constant 0 : i32
      %ne3A_120 = arith.cmpi ne, %rem3A, %ne3A_119 : i32
      %and3A = arith.andi %ne3A, %ne3A_120 : i1
      %sub3A = arith.constant 1 : i32
      %sub3A_121 = arith.subi %div3A, %sub3A : i32
      %select_n3A = arith.select %and3A, %sub3A_121, %div3A : i32
      %jit3A_122 = arith.constant 8 : i32
      %eq3A = arith.constant 0 : i32
      %eq3A_123 = arith.cmpi eq, %jit3A_122, %eq3A : i32
      %jit3A_124 = arith.constant 1 : i32
      %select_n3A_125 = arith.select %eq3A_123, %jit3A_124, %jit3A_122 : i32
      %rem3A_126 = arith.remsi %scan3A_103, %select_n3A_125 : i32
      %ne3A_127 = arith.constant 0 : i32
      %ne3A_128 = arith.cmpi ne, %rem3A_126, %ne3A_127 : i32
      %lt3A = arith.constant 0 : i32
      %lt3A_129 = arith.cmpi slt, %rem3A_126, %lt3A : i32
      %lt3A_130 = arith.constant 0 : i32
      %lt3A_131 = arith.cmpi slt, %select_n3A_125, %lt3A_130 : i32
      %ne3A_132 = arith.xori %lt3A_129, %lt3A_131 : i1
      %and3A_133 = arith.andi %ne3A_132, %ne3A_128 : i1
      %add3A_134 = arith.addi %rem3A_126, %select_n3A_125 : i32
      %select_n3A_135 = arith.select %and3A_133, %add3A_134, %rem3A_126 : i32
      %mul3A_136 = arith.constant 16 : i32
      %mul3A_137 = arith.muli %select_n3A_135, %mul3A_136 : i32
      %swap3A = arith.index_cast %select_n3A : i32 to index
      %swap3A_138 = arith.index_cast %mul3A_137 : i32 to index
      %swap3A_139 = tpu.vector_load %arg8[%swap3A, %swap3A_138] {strides = array<i32>} : memref<128x128xf32, #tpu.memory_space<vmem>>, vector<1x16xf32>,
      %swap3A_140 = vector.shape_cast %swap3A_139 : vector<1x16xf32> to vector<16xf32>
      %swap3A_141 = vector.shape_cast %broadcast_in_dim3A_105 : vector<16xf32> to vector<1x16xf32>
      tpu.vector_store %arg8[%swap3A, %swap3A_138], %swap3A_141 {strides = array<i32>} : memref<128x128xf32, #tpu.memory_space<vmem>>, vector<1x16xf32>,
      %scan3A_142 = arith.constant 0 : i32
      scf.yield %scan3A_142 : i32
    }
    %scan3A_31 = arith.constant 1024 : i32
    %mul3A_32 = arith.constant 640 : i32
    %mul3A_33 = arith.muli %arg1, %mul3A_32 : i32
    %add3A_34 = arith.constant 0 : i32
    %add3A_35 = arith.addi %mul3A_33, %add3A_34 : i32
    "tpu.region"() ({
      %run_scoped3A = tpu.sem_alloc : memref<!tpu.dma_semaphore, #tpu.memory_space<semaphore_mem>>
      %dma_start3A_103 = arith.constant 0 : i32
      %dma_start3A_104 = tpu.memref_slice %arg10[%add3A_35, %dma_start3A_103] : memref<10240x128xf32, #tpu.memory_space<vmem_shared>> -> memref<128x128xf32, #tpu.memory_space<vmem_shared>>
      %dma_start3A_105 = arith.constant 0 : i32
      %dma_start3A_106 = tpu.memref_slice %arg10[%add3A_35, %dma_start3A_105] : memref<10240x128xf32, #tpu.memory_space<vmem_shared>> -> memref<128x128xf32, #tpu.memory_space<vmem_shared>>
      tpu.enqueue_dma source(%arg8 : memref<128x128xf32, #tpu.memory_space<vmem>>) target(%dma_start3A_106 : memref<128x128xf32, #tpu.memory_space<vmem_shared>>) target_semaphore(%run_scoped3A : memref<!tpu.dma_semaphore, #tpu.memory_space<semaphore_mem>>)
      %dma_wait3A_107 = arith.constant 0 : i32
      %dma_wait3A_108 = tpu.memref_slice %arg10[%add3A_35, %dma_wait3A_107] : memref<10240x128xf32, #tpu.memory_space<vmem_shared>> -> memref<128x128xf32, #tpu.memory_space<vmem_shared>>
      %dma_wait3A_109 = arith.constant 0 : i32
      %dma_wait3A_110 = tpu.memref_slice %arg10[%add3A_35, %dma_wait3A_109] : memref<10240x128xf32, #tpu.memory_space<vmem_shared>> -> memref<128x128xf32, #tpu.memory_space<vmem_shared>>
      tpu.wait_dma2 semaphore(%run_scoped3A : memref<!tpu.dma_semaphore, #tpu.memory_space<semaphore_mem>>) src(%arg8 : memref<128x128xf32, #tpu.memory_space<vmem>>) dst(%dma_wait3A_110 : memref<128x128xf32, #tpu.memory_space<vmem_shared>>)
      tpu.yield
    }) : () -> ()
    %mul3A_36 = arith.constant 640 : i32
    %mul3A_37 = arith.muli %arg1, %mul3A_36 : i32
    %add3A_38 = arith.constant 128 : i32
    %add3A_39 = arith.addi %mul3A_37, %add3A_38 : i32
    "tpu.region"() ({
      %run_scoped3A = tpu.sem_alloc : memref<!tpu.dma_semaphore, #tpu.memory_space<semaphore_mem>>
      %dma_start3A_103 = arith.constant 0 : i32
      %dma_start3A_104 = tpu.memref_slice %arg10[%add3A_39, %dma_start3A_103] : memref<10240x128xf32, #tpu.memory_space<vmem_shared>> -> memref<128x128xf32, #tpu.memory_space<vmem_shared>>
      %dma_start3A_105 = arith.constant 0 : i32
      %dma_start3A_106 = tpu.memref_slice %arg10[%add3A_39, %dma_start3A_105] : memref<10240x128xf32, #tpu.memory_space<vmem_shared>> -> memref<128x128xf32, #tpu.memory_space<vmem_shared>>
      tpu.enqueue_dma source(%arg8 : memref<128x128xf32, #tpu.memory_space<vmem>>) target(%dma_start3A_106 : memref<128x128xf32, #tpu.memory_space<vmem_shared>>) target_semaphore(%run_scoped3A : memref<!tpu.dma_semaphore, #tpu.memory_space<semaphore_mem>>)
      %dma_wait3A_107 = arith.constant 0 : i32
      %dma_wait3A_108 = tpu.memref_slice %arg10[%add3A_39, %dma_wait3A_107] : memref<10240x128xf32, #tpu.memory_space<vmem_shared>> -> memref<128x128xf32, #tpu.memory_space<vmem_shared>>
      %dma_wait3A_109 = arith.constant 0 : i32
      %dma_wait3A_110 = tpu.memref_slice %arg10[%add3A_39, %dma_wait3A_109] : memref<10240x128xf32, #tpu.memory_space<vmem_shared>> -> memref<128x128xf32, #tpu.memory_space<vmem_shared>>
      tpu.wait_dma2 semaphore(%run_scoped3A : memref<!tpu.dma_semaphore, #tpu.memory_space<semaphore_mem>>) src(%arg8 : memref<128x128xf32, #tpu.memory_space<vmem>>) dst(%dma_wait3A_110 : memref<128x128xf32, #tpu.memory_space<vmem_shared>>)
      tpu.yield
    }) : () -> ()
    %mul3A_40 = arith.constant 640 : i32
    %mul3A_41 = arith.muli %arg1, %mul3A_40 : i32
    %add3A_42 = arith.constant 256 : i32
    %add3A_43 = arith.addi %mul3A_41, %add3A_42 : i32
    "tpu.region"() ({
      %run_scoped3A = tpu.sem_alloc : memref<!tpu.dma_semaphore, #tpu.memory_space<semaphore_mem>>
      %dma_start3A_103 = arith.constant 0 : i32
      %dma_start3A_104 = tpu.memref_slice %arg10[%add3A_43, %dma_start3A_103] : memref<10240x128xf32, #tpu.memory_space<vmem_shared>> -> memref<128x128xf32, #tpu.memory_space<vmem_shared>>
      %dma_start3A_105 = arith.constant 0 : i32
      %dma_start3A_106 = tpu.memref_slice %arg10[%add3A_43, %dma_start3A_105] : memref<10240x128xf32, #tpu.memory_space<vmem_shared>> -> memref<128x128xf32, #tpu.memory_space<vmem_shared>>
      tpu.enqueue_dma source(%arg8 : memref<128x128xf32, #tpu.memory_space<vmem>>) target(%dma_start3A_106 : memref<128x128xf32, #tpu.memory_space<vmem_shared>>) target_semaphore(%run_scoped3A : memref<!tpu.dma_semaphore, #tpu.memory_space<semaphore_mem>>)
      %dma_wait3A_107 = arith.constant 0 : i32
      %dma_wait3A_108 = tpu.memref_slice %arg10[%add3A_43, %dma_wait3A_107] : memref<10240x128xf32, #tpu.memory_space<vmem_shared>> -> memref<128x128xf32, #tpu.memory_space<vmem_shared>>
      %dma_wait3A_109 = arith.constant 0 : i32
      %dma_wait3A_110 = tpu.memref_slice %arg10[%add3A_43, %dma_wait3A_109] : memref<10240x128xf32, #tpu.memory_space<vmem_shared>> -> memref<128x128xf32, #tpu.memory_space<vmem_shared>>
      tpu.wait_dma2 semaphore(%run_scoped3A : memref<!tpu.dma_semaphore, #tpu.memory_space<semaphore_mem>>) src(%arg8 : memref<128x128xf32, #tpu.memory_space<vmem>>) dst(%dma_wait3A_110 : memref<128x128xf32, #tpu.memory_space<vmem_shared>>)
      tpu.yield
    }) : () -> ()
    %mul3A_44 = arith.constant 640 : i32
    %mul3A_45 = arith.muli %arg1, %mul3A_44 : i32
    %add3A_46 = arith.constant 384 : i32
    %add3A_47 = arith.addi %mul3A_45, %add3A_46 : i32
    "tpu.region"() ({
      %run_scoped3A = tpu.sem_alloc : memref<!tpu.dma_semaphore, #tpu.memory_space<semaphore_mem>>
      %dma_start3A_103 = arith.constant 0 : i32
      %dma_start3A_104 = tpu.memref_slice %arg10[%add3A_47, %dma_start3A_103] : memref<10240x128xf32, #tpu.memory_space<vmem_shared>> -> memref<128x128xf32, #tpu.memory_space<vmem_shared>>
      %dma_start3A_105 = arith.constant 0 : i32
      %dma_start3A_106 = tpu.memref_slice %arg10[%add3A_47, %dma_start3A_105] : memref<10240x128xf32, #tpu.memory_space<vmem_shared>> -> memref<128x128xf32, #tpu.memory_space<vmem_shared>>
      tpu.enqueue_dma source(%arg8 : memref<128x128xf32, #tpu.memory_space<vmem>>) target(%dma_start3A_106 : memref<128x128xf32, #tpu.memory_space<vmem_shared>>) target_semaphore(%run_scoped3A : memref<!tpu.dma_semaphore, #tpu.memory_space<semaphore_mem>>)
      %dma_wait3A_107 = arith.constant 0 : i32
      %dma_wait3A_108 = tpu.memref_slice %arg10[%add3A_47, %dma_wait3A_107] : memref<10240x128xf32, #tpu.memory_space<vmem_shared>> -> memref<128x128xf32, #tpu.memory_space<vmem_shared>>
      %dma_wait3A_109 = arith.constant 0 : i32
      %dma_wait3A_110 = tpu.memref_slice %arg10[%add3A_47, %dma_wait3A_109] : memref<10240x128xf32, #tpu.memory_space<vmem_shared>> -> memref<128x128xf32, #tpu.memory_space<vmem_shared>>
      tpu.wait_dma2 semaphore(%run_scoped3A : memref<!tpu.dma_semaphore, #tpu.memory_space<semaphore_mem>>) src(%arg8 : memref<128x128xf32, #tpu.memory_space<vmem>>) dst(%dma_wait3A_110 : memref<128x128xf32, #tpu.memory_space<vmem_shared>>)
      tpu.yield
    }) : () -> ()
    %mul3A_48 = arith.constant 640 : i32
    %mul3A_49 = arith.muli %arg1, %mul3A_48 : i32
    %add3A_50 = arith.constant 512 : i32
    %add3A_51 = arith.addi %mul3A_49, %add3A_50 : i32
    "tpu.region"() ({
      %run_scoped3A = tpu.sem_alloc : memref<!tpu.dma_semaphore, #tpu.memory_space<semaphore_mem>>
      %dma_start3A_103 = arith.constant 0 : i32
      %dma_start3A_104 = tpu.memref_slice %arg10[%add3A_51, %dma_start3A_103] : memref<10240x128xf32, #tpu.memory_space<vmem_shared>> -> memref<128x128xf32, #tpu.memory_space<vmem_shared>>
      %dma_start3A_105 = arith.constant 0 : i32
      %dma_start3A_106 = tpu.memref_slice %arg10[%add3A_51, %dma_start3A_105] : memref<10240x128xf32, #tpu.memory_space<vmem_shared>> -> memref<128x128xf32, #tpu.memory_space<vmem_shared>>
      tpu.enqueue_dma source(%arg8 : memref<128x128xf32, #tpu.memory_space<vmem>>) target(%dma_start3A_106 : memref<128x128xf32, #tpu.memory_space<vmem_shared>>) target_semaphore(%run_scoped3A : memref<!tpu.dma_semaphore, #tpu.memory_space<semaphore_mem>>)
      %dma_wait3A_107 = arith.constant 0 : i32
      %dma_wait3A_108 = tpu.memref_slice %arg10[%add3A_51, %dma_wait3A_107] : memref<10240x128xf32, #tpu.memory_space<vmem_shared>> -> memref<128x128xf32, #tpu.memory_space<vmem_shared>>
      %dma_wait3A_109 = arith.constant 0 : i32
      %dma_wait3A_110 = tpu.memref_slice %arg10[%add3A_51, %dma_wait3A_109] : memref<10240x128xf32, #tpu.memory_space<vmem_shared>> -> memref<128x128xf32, #tpu.memory_space<vmem_shared>>
      tpu.wait_dma2 semaphore(%run_scoped3A : memref<!tpu.dma_semaphore, #tpu.memory_space<semaphore_mem>>) src(%arg8 : memref<128x128xf32, #tpu.memory_space<vmem>>) dst(%dma_wait3A_110 : memref<128x128xf32, #tpu.memory_space<vmem_shared>>)
      tpu.yield
    }) : () -> ()
    %dma_wait3A = arith.constant 0 : i32
    %dma_wait3A_52 = arith.constant 0 : i32
    %dma_wait3A_53 = tpu.memref_slice %arg3[%add3A, %dma_wait3A, %dma_wait3A_52] : memref<32x80x128xi32, #tpu.memory_space<hbm>> -> memref<1x80x128xi32, #tpu.memory_space<hbm>>
    %dma_wait3A_54 = tpu.memref_squeeze %dma_wait3A_53 : memref<1x80x128xi32, #tpu.memory_space<hbm>> -> memref<80x128xi32, #tpu.memory_space<hbm>>
    %dma_wait3A_55 = arith.constant 0 : i32
    %dma_wait3A_56 = arith.constant 0 : i32
    %dma_wait3A_57 = tpu.memref_slice %arg3[%add3A, %dma_wait3A_55, %dma_wait3A_56] : memref<32x80x128xi32, #tpu.memory_space<hbm>> -> memref<1x80x128xi32, #tpu.memory_space<hbm>>
    %dma_wait3A_58 = tpu.memref_squeeze %dma_wait3A_57 : memref<1x80x128xi32, #tpu.memory_space<hbm>> -> memref<80x128xi32, #tpu.memory_space<hbm>>
    tpu.wait_dma2 semaphore(%arg15 : memref<!tpu.dma_semaphore, #tpu.memory_space<semaphore_mem>>) src(%dma_wait3A_58 : memref<80x128xi32, #tpu.memory_space<hbm>>) dst(%arg6 : memref<80x128xi32, #tpu.memory_space<vmem>>)
    %dma_wait3A_59 = arith.constant 0 : i32
    %dma_wait3A_60 = arith.constant 0 : i32
    %dma_wait3A_61 = arith.constant 0 : i32
    %dma_wait3A_62 = arith.constant 0 : i32
    %dma_wait3A_63 = tpu.memref_slice %arg7[%dma_wait3A_60, %dma_wait3A_61, %dma_wait3A_62] : memref<2x10x128xi32, #tpu.memory_space<vmem>> -> memref<1x10x128xi32, #tpu.memory_space<vmem>>
    %dma_wait3A_64 = tpu.memref_squeeze %dma_wait3A_63 : memref<1x10x128xi32, #tpu.memory_space<vmem>> -> memref<10x128xi32, #tpu.memory_space<vmem>>
    %dma_wait3A_65 = arith.constant 0 : i32
    %dma_wait3A_66 = arith.constant 0 : i32
    %dma_wait3A_67 = tpu.memref_slice %arg4[%add3A, %dma_wait3A_59, %dma_wait3A_65, %dma_wait3A_66] : memref<32x8x10x128xi32, #tpu.memory_space<hbm>> -> memref<1x1x10x128xi32, #tpu.memory_space<hbm>>
    %dma_wait3A_68 = tpu.memref_squeeze %dma_wait3A_67 : memref<1x1x10x128xi32, #tpu.memory_space<hbm>> -> memref<10x128xi32, #tpu.memory_space<hbm>>
    %dma_wait3A_69 = arith.constant 0 : i32
    %dma_wait3A_70 = arith.constant 0 : i32
    %dma_wait3A_71 = tpu.memref_slice %arg7[%dma_wait3A_60, %dma_wait3A_69, %dma_wait3A_70] : memref<2x10x128xi32, #tpu.memory_space<vmem>> -> memref<1x10x128xi32, #tpu.memory_space<vmem>>
    %dma_wait3A_72 = tpu.memref_squeeze %dma_wait3A_71 : memref<1x10x128xi32, #tpu.memory_space<vmem>> -> memref<10x128xi32, #tpu.memory_space<vmem>>
    %dma_wait3A_73 = arith.constant 0 : i32
    %dma_wait3A_74 = arith.constant 0 : i32
    %dma_wait3A_75 = tpu.memref_slice %arg4[%add3A, %dma_wait3A_59, %dma_wait3A_73, %dma_wait3A_74] : memref<32x8x10x128xi32, #tpu.memory_space<hbm>> -> memref<1x1x10x128xi32, #tpu.memory_space<hbm>>
    %dma_wait3A_76 = tpu.memref_squeeze %dma_wait3A_75 : memref<1x1x10x128xi32, #tpu.memory_space<hbm>> -> memref<10x128xi32, #tpu.memory_space<hbm>>
    tpu.wait_dma2 semaphore(%arg15 : memref<!tpu.dma_semaphore, #tpu.memory_space<semaphore_mem>>) src(%dma_wait3A_76 : memref<10x128xi32, #tpu.memory_space<hbm>>) dst(%dma_wait3A_72 : memref<10x128xi32, #tpu.memory_space<vmem>>)
    %barrier3A = arith.constant 0 : index
    tpu.barrier barrier_id(%barrier3A)
    %dma_start3A_77 = arith.constant 0 : i32
    %dma_start3A_78 = arith.constant 0 : i32
    %dma_start3A_79 = tpu.memref_slice %arg6[%dma_start3A_77, %dma_start3A_78] : memref<80x128xi32, #tpu.memory_space<vmem>> -> memref<1x128xi32, #tpu.memory_space<vmem>>
    %dma_start3A_80 = tpu.memref_squeeze %dma_start3A_79 : memref<1x128xi32, #tpu.memory_space<vmem>> -> memref<128xi32, #tpu.memory_space<vmem>>
    %dma_start3A_81 = arith.constant 0 : i32
    %dma_start3A_82 = arith.constant 0 : i32
    %dma_start3A_83 = tpu.memref_slice %arg2[%dma_start3A_81, %dma_start3A_82] : memref<10000x128xf32, #tpu.memory_space<hbm>> -> memref<10000x128xf32, #tpu.memory_space<hbm>>
    tpu.enqueue_indirect_dma source(%dma_start3A_83 : memref<10000x128xf32, #tpu.memory_space<hbm>>) target(%arg8 : memref<128x128xf32, #tpu.memory_space<vmem>>) offsets(%dma_start3A_80 : memref<128xi32, #tpu.memory_space<vmem>>) semaphore(%arg11 : memref<!tpu.dma_semaphore, #tpu.memory_space<semaphore_mem>>)
    %dma_start3A_84 = arith.constant 1 : i32
    %dma_start3A_85 = arith.constant 0 : i32
    %dma_start3A_86 = tpu.memref_slice %arg6[%dma_start3A_84, %dma_start3A_85] : memref<80x128xi32, #tpu.memory_space<vmem>> -> memref<1x128xi32, #tpu.memory_space<vmem>>
    %dma_start3A_87 = tpu.memref_squeeze %dma_start3A_86 : memref<1x128xi32, #tpu.memory_space<vmem>> -> memref<128xi32, #tpu.memory_space<vmem>>
    %dma_start3A_88 = arith.constant 0 : i32
    %dma_start3A_89 = arith.constant 0 : i32
    %dma_start3A_90 = tpu.memref_slice %arg2[%dma_start3A_88, %dma_start3A_89] : memref<10000x128xf32, #tpu.memory_space<hbm>> -> memref<10000x128xf32, #tpu.memory_space<hbm>>
    tpu.enqueue_indirect_dma source(%dma_start3A_90 : memref<10000x128xf32, #tpu.memory_space<hbm>>) target(%arg9 : memref<128x128xf32, #tpu.memory_space<vmem>>) offsets(%dma_start3A_87 : memref<128xi32, #tpu.memory_space<vmem>>) semaphore(%arg12 : memref<!tpu.dma_semaphore, #tpu.memory_space<semaphore_mem>>)
    %scan3A_91 = arith.constant 0 : i32
    %scan3A_92 = arith.constant 0 : i32
    %scan3A_93 = arith.constant 40 : i32
    %scan3A_94 = arith.addi %scan3A_92, %scan3A_93 : i32
    %scan3A_95 = arith.constant 1 : i32
    %scan3A_96 = scf.for %scan3A_103 = %scan3A_92 to %scan3A_94 step %scan3A_95 iter_args(%scan3A_104 = %scan3A_91) -> (i32)  : i32 {
      %mul3A_105 = arith.constant 2 : i32
      %mul3A_106 = arith.muli %mul3A_105, %scan3A_103 : i32
      %jit3A = arith.constant 5 : i32
      %div3A = arith.divsi %scan3A_103, %jit3A : i32
      %sign3A = arith.constant 0 : i32
      %sign3A_107 = arith.cmpi sgt, %scan3A_103, %sign3A : i32
      %sign3A_108 = arith.extui %sign3A_107 : i1 to i32
      %sign3A_109 = arith.constant 0 : i32
      %sign3A_110 = arith.cmpi slt, %scan3A_103, %sign3A_109 : i32
      %sign3A_111 = arith.extui %sign3A_110 : i1 to i32
      %sign3A_112 = arith.subi %sign3A_108, %sign3A_111 : i32
      %sign3A_113 = arith.constant 0 : i32
      %sign3A_114 = arith.cmpi sgt, %jit3A, %sign3A_113 : i32
      %sign3A_115 = arith.extui %sign3A_114 : i1 to i32
      %sign3A_116 = arith.constant 0 : i32
      %sign3A_117 = arith.cmpi slt, %jit3A, %sign3A_116 : i32
      %sign3A_118 = arith.extui %sign3A_117 : i1 to i32
      %sign3A_119 = arith.subi %sign3A_115, %sign3A_118 : i32
      %ne3A = arith.cmpi ne, %sign3A_112, %sign3A_119 : i32
      %rem3A = arith.remsi %scan3A_103, %jit3A : i32
      %ne3A_120 = arith.constant 0 : i32
      %ne3A_121 = arith.cmpi ne, %rem3A, %ne3A_120 : i32
      %and3A = arith.andi %ne3A, %ne3A_121 : i1
      %sub3A = arith.constant 1 : i32
      %sub3A_122 = arith.subi %div3A, %sub3A : i32
      %select_n3A = arith.select %and3A, %sub3A_122, %div3A : i32
      %jit3A_123 = arith.constant 2 : i32
      %eq3A = arith.constant 0 : i32
      %eq3A_124 = arith.cmpi eq, %jit3A_123, %eq3A : i32
      %jit3A_125 = arith.constant 1 : i32
      %select_n3A_126 = arith.select %eq3A_124, %jit3A_125, %jit3A_123 : i32
      %rem3A_127 = arith.remsi %select_n3A, %select_n3A_126 : i32
      %ne3A_128 = arith.constant 0 : i32
      %ne3A_129 = arith.cmpi ne, %rem3A_127, %ne3A_128 : i32
      %lt3A = arith.constant 0 : i32
      %lt3A_130 = arith.cmpi slt, %rem3A_127, %lt3A : i32
      %lt3A_131 = arith.constant 0 : i32
      %lt3A_132 = arith.cmpi slt, %select_n3A_126, %lt3A_131 : i32
      %ne3A_133 = arith.xori %lt3A_130, %lt3A_132 : i1
      %and3A_134 = arith.andi %ne3A_133, %ne3A_129 : i1
      %add3A_135 = arith.addi %rem3A_127, %select_n3A_126 : i32
      %select_n3A_136 = arith.select %and3A_134, %add3A_135, %rem3A_127 : i32
      %jit3A_137 = arith.constant 5 : i32
      %eq3A_138 = arith.constant 0 : i32
      %eq3A_139 = arith.cmpi eq, %jit3A_137, %eq3A_138 : i32
      %jit3A_140 = arith.constant 1 : i32
      %select_n3A_141 = arith.select %eq3A_139, %jit3A_140, %jit3A_137 : i32
      %rem3A_142 = arith.remsi %scan3A_103, %select_n3A_141 : i32
      %ne3A_143 = arith.constant 0 : i32
      %ne3A_144 = arith.cmpi ne, %rem3A_142, %ne3A_143 : i32
      %lt3A_145 = arith.constant 0 : i32
      %lt3A_146 = arith.cmpi slt, %rem3A_142, %lt3A_145 : i32
      %lt3A_147 = arith.constant 0 : i32
      %lt3A_148 = arith.cmpi slt, %select_n3A_141, %lt3A_147 : i32
      %ne3A_149 = arith.xori %lt3A_146, %lt3A_148 : i1
      %and3A_150 = arith.andi %ne3A_149, %ne3A_144 : i1
      %add3A_151 = arith.addi %rem3A_142, %select_n3A_141 : i32
      %select_n3A_152 = arith.select %and3A_150, %add3A_151, %rem3A_142 : i32
      %mul3A_153 = arith.constant 2 : i32
      %mul3A_154 = arith.muli %select_n3A_152, %mul3A_153 : i32
      %jit3A_155 = arith.constant 5 : i32
      %eq3A_156 = arith.constant 0 : i32
      %eq3A_157 = arith.cmpi eq, %jit3A_155, %eq3A_156 : i32
      %jit3A_158 = arith.constant 1 : i32
      %select_n3A_159 = arith.select %eq3A_157, %jit3A_158, %jit3A_155 : i32
      %rem3A_160 = arith.remsi %scan3A_103, %select_n3A_159 : i32
      %ne3A_161 = arith.constant 0 : i32
      %ne3A_162 = arith.cmpi ne, %rem3A_160, %ne3A_161 : i32
      %lt3A_163 = arith.constant 0 : i32
      %lt3A_164 = arith.cmpi slt, %rem3A_160, %lt3A_163 : i32
      %lt3A_165 = arith.constant 0 : i32
      %lt3A_166 = arith.cmpi slt, %select_n3A_159, %lt3A_165 : i32
      %ne3A_167 = arith.xori %lt3A_164, %lt3A_166 : i1
      %and3A_168 = arith.andi %ne3A_167, %ne3A_162 : i1
      %add3A_169 = arith.addi %rem3A_160, %select_n3A_159 : i32
      %select_n3A_170 = arith.select %and3A_168, %add3A_169, %rem3A_160 : i32
      %eq3A_171 = arith.constant 0 : i32
      %eq3A_172 = arith.cmpi eq, %select_n3A_170, %eq3A_171 : i32
      %add3A_173 = arith.constant 1 : i32
      %add3A_174 = arith.addi %select_n3A, %add3A_173 : i32
      %lt3A_175 = arith.constant 8 : i32
      %lt3A_176 = arith.cmpi slt, %add3A_174, %lt3A_175 : i32
      %and3A_177 = arith.andi %eq3A_172, %lt3A_176 : i1
      %convert_element_type3A = arith.extui %and3A_177 : i1 to i32
      %cond3A = arith.constant 0 : i32
      %cond3A_178 = arith.cmpi ne, %convert_element_type3A, %cond3A : i32
      scf.if %cond3A_178 {
        %add3A_239 = arith.constant 1 : i32
        %add3A_240 = arith.addi %select_n3A, %add3A_239 : i32
        %sub3A_241 = arith.constant 1 : i32
        %sub3A_242 = arith.subi %sub3A_241, %select_n3A_136 : i32
        %dma_start3A_243 = arith.constant 0 : i32
        %dma_start3A_244 = arith.constant 0 : i32
        %dma_start3A_245 = tpu.memref_slice %arg7[%sub3A_242, %dma_start3A_243, %dma_start3A_244] : memref<2x10x128xi32, #tpu.memory_space<vmem>> -> memref<1x10x128xi32, #tpu.memory_space<vmem>>
        %dma_start3A_246 = tpu.memref_squeeze %dma_start3A_245 : memref<1x10x128xi32, #tpu.memory_space<vmem>> -> memref<10x128xi32, #tpu.memory_space<vmem>>
        %dma_start3A_247 = arith.constant 0 : i32
        %dma_start3A_248 = arith.constant 0 : i32
        %dma_start3A_249 = tpu.memref_slice %arg4[%add3A, %add3A_240, %dma_start3A_247, %dma_start3A_248] : memref<32x8x10x128xi32, #tpu.memory_space<hbm>> -> memref<1x1x10x128xi32, #tpu.memory_space<hbm>>
        %dma_start3A_250 = tpu.memref_squeeze %dma_start3A_249 : memref<1x1x10x128xi32, #tpu.memory_space<hbm>> -> memref<10x128xi32, #tpu.memory_space<hbm>>
        %dma_start3A_251 = arith.constant 0 : i32
        %dma_start3A_252 = arith.constant 0 : i32
        %dma_start3A_253 = tpu.memref_slice %arg7[%sub3A_242, %dma_start3A_251, %dma_start3A_252] : memref<2x10x128xi32, #tpu.memory_space<vmem>> -> memref<1x10x128xi32, #tpu.memory_space<vmem>>
        %dma_start3A_254 = tpu.memref_squeeze %dma_start3A_253 : memref<1x10x128xi32, #tpu.memory_space<vmem>> -> memref<10x128xi32, #tpu.memory_space<vmem>>
        %dma_start3A_255 = arith.constant 0 : i32
        %dma_start3A_256 = arith.constant 0 : i32
        %dma_start3A_257 = tpu.memref_slice %arg4[%add3A, %add3A_240, %dma_start3A_255, %dma_start3A_256] : memref<32x8x10x128xi32, #tpu.memory_space<hbm>> -> memref<1x1x10x128xi32, #tpu.memory_space<hbm>>
        %dma_start3A_258 = tpu.memref_squeeze %dma_start3A_257 : memref<1x1x10x128xi32, #tpu.memory_space<hbm>> -> memref<10x128xi32, #tpu.memory_space<hbm>>
        tpu.enqueue_dma source(%dma_start3A_258 : memref<10x128xi32, #tpu.memory_space<hbm>>) target(%dma_start3A_254 : memref<10x128xi32, #tpu.memory_space<vmem>>) target_semaphore(%arg15 : memref<!tpu.dma_semaphore, #tpu.memory_space<semaphore_mem>>)
      } else {
      }
      %gt3A = arith.constant 0 : i32
      %gt3A_179 = arith.cmpi sgt, %select_n3A, %gt3A : i32
      %and3A_180 = arith.andi %eq3A_172, %gt3A_179 : i1
      %convert_element_type3A_181 = arith.extui %and3A_180 : i1 to i32
      %cond3A_182 = arith.constant 0 : i32
      %cond3A_183 = arith.cmpi ne, %convert_element_type3A_181, %cond3A_182 : i32
      scf.if %cond3A_183 {
        %dma_wait3A_239 = arith.constant 0 : i32
        %dma_wait3A_240 = arith.constant 0 : i32
        %dma_wait3A_241 = tpu.memref_slice %arg7[%select_n3A_136, %dma_wait3A_239, %dma_wait3A_240] : memref<2x10x128xi32, #tpu.memory_space<vmem>> -> memref<1x10x128xi32, #tpu.memory_space<vmem>>
        %dma_wait3A_242 = tpu.memref_squeeze %dma_wait3A_241 : memref<1x10x128xi32, #tpu.memory_space<vmem>> -> memref<10x128xi32, #tpu.memory_space<vmem>>
        %dma_wait3A_243 = arith.constant 0 : i32
        %dma_wait3A_244 = arith.constant 0 : i32
        %dma_wait3A_245 = tpu.memref_slice %arg4[%add3A, %select_n3A, %dma_wait3A_243, %dma_wait3A_244] : memref<32x8x10x128xi32, #tpu.memory_space<hbm>> -> memref<1x1x10x128xi32, #tpu.memory_space<hbm>>
        %dma_wait3A_246 = tpu.memref_squeeze %dma_wait3A_245 : memref<1x1x10x128xi32, #tpu.memory_space<hbm>> -> memref<10x128xi32, #tpu.memory_space<hbm>>
        %dma_wait3A_247 = arith.constant 0 : i32
        %dma_wait3A_248 = arith.constant 0 : i32
        %dma_wait3A_249 = tpu.memref_slice %arg7[%select_n3A_136, %dma_wait3A_247, %dma_wait3A_248] : memref<2x10x128xi32, #tpu.memory_space<vmem>> -> memref<1x10x128xi32, #tpu.memory_space<vmem>>
        %dma_wait3A_250 = tpu.memref_squeeze %dma_wait3A_249 : memref<1x10x128xi32, #tpu.memory_space<vmem>> -> memref<10x128xi32, #tpu.memory_space<vmem>>
        %dma_wait3A_251 = arith.constant 0 : i32
        %dma_wait3A_252 = arith.constant 0 : i32
        %dma_wait3A_253 = tpu.memref_slice %arg4[%add3A, %select_n3A, %dma_wait3A_251, %dma_wait3A_252] : memref<32x8x10x128xi32, #tpu.memory_space<hbm>> -> memref<1x1x10x128xi32, #tpu.memory_space<hbm>>
        %dma_wait3A_254 = tpu.memref_squeeze %dma_wait3A_253 : memref<1x1x10x128xi32, #tpu.memory_space<hbm>> -> memref<10x128xi32, #tpu.memory_space<hbm>>
        tpu.wait_dma2 semaphore(%arg15 : memref<!tpu.dma_semaphore, #tpu.memory_space<semaphore_mem>>) src(%dma_wait3A_254 : memref<10x128xi32, #tpu.memory_space<hbm>>) dst(%dma_wait3A_250 : memref<10x128xi32, #tpu.memory_space<vmem>>)
      } else {
      }
      %dma_wait3A_184 = arith.constant 0 : i32
      %dma_wait3A_185 = tpu.memref_slice %arg6[%mul3A_106, %dma_wait3A_184] : memref<80x128xi32, #tpu.memory_space<vmem>> -> memref<1x128xi32, #tpu.memory_space<vmem>>
      %dma_wait3A_186 = tpu.memref_squeeze %dma_wait3A_185 : memref<1x128xi32, #tpu.memory_space<vmem>> -> memref<128xi32, #tpu.memory_space<vmem>>
      %dma_wait3A_187 = arith.constant 0 : i32
      %dma_wait3A_188 = arith.constant 0 : i32
      %dma_wait3A_189 = tpu.memref_slice %arg2[%dma_wait3A_187, %dma_wait3A_188] : memref<10000x128xf32, #tpu.memory_space<hbm>> -> memref<10000x128xf32, #tpu.memory_space<hbm>>
      tpu.wait_indirect_dma semaphore(%arg11 : memref<!tpu.dma_semaphore, #tpu.memory_space<semaphore_mem>>) src(%dma_wait3A_189 : memref<10000x128xf32, #tpu.memory_space<hbm>>) dst(%arg8 : memref<128x128xf32, #tpu.memory_space<vmem>>)
      %dma_start3A_190 = arith.constant 0 : i32
      %dma_start3A_191 = tpu.memref_slice %arg7[%select_n3A_136, %mul3A_154, %dma_start3A_190] : memref<2x10x128xi32, #tpu.memory_space<vmem>> -> memref<1x1x128xi32, #tpu.memory_space<vmem>>
      %dma_start3A_192 = tpu.memref_squeeze %dma_start3A_191 : memref<1x1x128xi32, #tpu.memory_space<vmem>> -> memref<128xi32, #tpu.memory_space<vmem>>
      %dma_start3A_193 = arith.constant 0 : i32
      %dma_start3A_194 = arith.constant 0 : i32
      %dma_start3A_195 = tpu.memref_slice %arg10[%dma_start3A_193, %dma_start3A_194] : memref<10240x128xf32, #tpu.memory_space<vmem_shared>> -> memref<10240x128xf32, #tpu.memory_space<vmem_shared>>
      tpu.enqueue_indirect_dma source(%arg8 : memref<128x128xf32, #tpu.memory_space<vmem>>) target(%dma_start3A_195 : memref<10240x128xf32, #tpu.memory_space<vmem_shared>>) offsets(%dma_start3A_192 : memref<128xi32, #tpu.memory_space<vmem>>) semaphore(%arg13 : memref<!tpu.dma_semaphore, #tpu.memory_space<semaphore_mem>>) {add = true}
      %add3A_196 = arith.constant 1 : i32
      %add3A_197 = arith.addi %mul3A_106, %add3A_196 : i32
      %dma_wait3A_198 = arith.constant 0 : i32
      %dma_wait3A_199 = tpu.memref_slice %arg6[%add3A_197, %dma_wait3A_198] : memref<80x128xi32, #tpu.memory_space<vmem>> -> memref<1x128xi32, #tpu.memory_space<vmem>>
      %dma_wait3A_200 = tpu.memref_squeeze %dma_wait3A_199 : memref<1x128xi32, #tpu.memory_space<vmem>> -> memref<128xi32, #tpu.memory_space<vmem>>
      %dma_wait3A_201 = arith.constant 0 : i32
      %dma_wait3A_202 = arith.constant 0 : i32
      %dma_wait3A_203 = tpu.memref_slice %arg2[%dma_wait3A_201, %dma_wait3A_202] : memref<10000x128xf32, #tpu.memory_space<hbm>> -> memref<10000x128xf32, #tpu.memory_space<hbm>>
      tpu.wait_indirect_dma semaphore(%arg12 : memref<!tpu.dma_semaphore, #tpu.memory_space<semaphore_mem>>) src(%dma_wait3A_203 : memref<10000x128xf32, #tpu.memory_space<hbm>>) dst(%arg9 : memref<128x128xf32, #tpu.memory_space<vmem>>)
      %add3A_204 = arith.constant 1 : i32
      %add3A_205 = arith.addi %mul3A_154, %add3A_204 : i32
      %dma_start3A_206 = arith.constant 0 : i32
      %dma_start3A_207 = tpu.memref_slice %arg7[%select_n3A_136, %add3A_205, %dma_start3A_206] : memref<2x10x128xi32, #tpu.memory_space<vmem>> -> memref<1x1x128xi32, #tpu.memory_space<vmem>>
      %dma_start3A_208 = tpu.memref_squeeze %dma_start3A_207 : memref<1x1x128xi32, #tpu.memory_space<vmem>> -> memref<128xi32, #tpu.memory_space<vmem>>
      %dma_start3A_209 = arith.constant 0 : i32
      %dma_start3A_210 = arith.constant 0 : i32
      %dma_start3A_211 = tpu.memref_slice %arg10[%dma_start3A_209, %dma_start3A_210] : memref<10240x128xf32, #tpu.memory_space<vmem_shared>> -> memref<10240x128xf32, #tpu.memory_space<vmem_shared>>
      tpu.enqueue_indirect_dma source(%arg9 : memref<128x128xf32, #tpu.memory_space<vmem>>) target(%dma_start3A_211 : memref<10240x128xf32, #tpu.memory_space<vmem_shared>>) offsets(%dma_start3A_208 : memref<128xi32, #tpu.memory_space<vmem>>) semaphore(%arg14 : memref<!tpu.dma_semaphore, #tpu.memory_space<semaphore_mem>>) {add = true}
      %dma_wait3A_212 = arith.constant 0 : i32
      %dma_wait3A_213 = tpu.memref_slice %arg7[%select_n3A_136, %mul3A_154, %dma_wait3A_212] : memref<2x10x128xi32, #tpu.memory_space<vmem>> -> memref<1x1x128xi32, #tpu.memory_space<vmem>>
      %dma_wait3A_214 = tpu.memref_squeeze %dma_wait3A_213 : memref<1x1x128xi32, #tpu.memory_space<vmem>> -> memref<128xi32, #tpu.memory_space<vmem>>
      %dma_wait3A_215 = arith.constant 0 : i32
      %dma_wait3A_216 = arith.constant 0 : i32
      %dma_wait3A_217 = tpu.memref_slice %arg10[%dma_wait3A_215, %dma_wait3A_216] : memref<10240x128xf32, #tpu.memory_space<vmem_shared>> -> memref<10240x128xf32, #tpu.memory_space<vmem_shared>>
      tpu.wait_indirect_dma semaphore(%arg13 : memref<!tpu.dma_semaphore, #tpu.memory_space<semaphore_mem>>) src(%arg8 : memref<128x128xf32, #tpu.memory_space<vmem>>) dst(%dma_wait3A_217 : memref<10240x128xf32, #tpu.memory_space<vmem_shared>>)
      %add3A_218 = arith.constant 2 : i32
      %add3A_219 = arith.addi %mul3A_106, %add3A_218 : i32
      %lt3A_220 = arith.constant 80 : i32
      %lt3A_221 = arith.cmpi slt, %add3A_219, %lt3A_220 : i32
      %convert_element_type3A_222 = arith.extui %lt3A_221 : i1 to i32
      %cond3A_223 = arith.constant 0 : i32
      %cond3A_224 = arith.cmpi ne, %convert_element_type3A_222, %cond3A_223 : i32
      scf.if %cond3A_224 {
        %add3A_239 = arith.constant 2 : i32
        %add3A_240 = arith.addi %mul3A_106, %add3A_239 : i32
        %dma_start3A_241 = arith.constant 0 : i32
        %dma_start3A_242 = tpu.memref_slice %arg6[%add3A_240, %dma_start3A_241] : memref<80x128xi32, #tpu.memory_space<vmem>> -> memref<1x128xi32, #tpu.memory_space<vmem>>
        %dma_start3A_243 = tpu.memref_squeeze %dma_start3A_242 : memref<1x128xi32, #tpu.memory_space<vmem>> -> memref<128xi32, #tpu.memory_space<vmem>>
        %dma_start3A_244 = arith.constant 0 : i32
        %dma_start3A_245 = arith.constant 0 : i32
        %dma_start3A_246 = tpu.memref_slice %arg2[%dma_start3A_244, %dma_start3A_245] : memref<10000x128xf32, #tpu.memory_space<hbm>> -> memref<10000x128xf32, #tpu.memory_space<hbm>>
        tpu.enqueue_indirect_dma source(%dma_start3A_246 : memref<10000x128xf32, #tpu.memory_space<hbm>>) target(%arg8 : memref<128x128xf32, #tpu.memory_space<vmem>>) offsets(%dma_start3A_243 : memref<128xi32, #tpu.memory_space<vmem>>) semaphore(%arg11 : memref<!tpu.dma_semaphore, #tpu.memory_space<semaphore_mem>>)
      } else {
      }
      %dma_wait3A_225 = arith.constant 0 : i32
      %dma_wait3A_226 = tpu.memref_slice %arg7[%select_n3A_136, %add3A_205, %dma_wait3A_225] : memref<2x10x128xi32, #tpu.memory_space<vmem>> -> memref<1x1x128xi32, #tpu.memory_space<vmem>>
      %dma_wait3A_227 = tpu.memref_squeeze %dma_wait3A_226 : memref<1x1x128xi32, #tpu.memory_space<vmem>> -> memref<128xi32, #tpu.memory_space<vmem>>
      %dma_wait3A_228 = arith.constant 0 : i32
      %dma_wait3A_229 = arith.constant 0 : i32
      %dma_wait3A_230 = tpu.memref_slice %arg10[%dma_wait3A_228, %dma_wait3A_229] : memref<10240x128xf32, #tpu.memory_space<vmem_shared>> -> memref<10240x128xf32, #tpu.memory_space<vmem_shared>>
      tpu.wait_indirect_dma semaphore(%arg14 : memref<!tpu.dma_semaphore, #tpu.memory_space<semaphore_mem>>) src(%arg9 : memref<128x128xf32, #tpu.memory_space<vmem>>) dst(%dma_wait3A_230 : memref<10240x128xf32, #tpu.memory_space<vmem_shared>>)
      %add3A_231 = arith.constant 3 : i32
      %add3A_232 = arith.addi %mul3A_106, %add3A_231 : i32
      %lt3A_233 = arith.constant 80 : i32
      %lt3A_234 = arith.cmpi slt, %add3A_232, %lt3A_233 : i32
      %convert_element_type3A_235 = arith.extui %lt3A_234 : i1 to i32
      %cond3A_236 = arith.constant 0 : i32
      %cond3A_237 = arith.cmpi ne, %convert_element_type3A_235, %cond3A_236 : i32
      scf.if %cond3A_237 {
        %add3A_239 = arith.constant 3 : i32
        %add3A_240 = arith.addi %mul3A_106, %add3A_239 : i32
        %dma_start3A_241 = arith.constant 0 : i32
        %dma_start3A_242 = tpu.memref_slice %arg6[%add3A_240, %dma_start3A_241] : memref<80x128xi32, #tpu.memory_space<vmem>> -> memref<1x128xi32, #tpu.memory_space<vmem>>
        %dma_start3A_243 = tpu.memref_squeeze %dma_start3A_242 : memref<1x128xi32, #tpu.memory_space<vmem>> -> memref<128xi32, #tpu.memory_space<vmem>>
        %dma_start3A_244 = arith.constant 0 : i32
        %dma_start3A_245 = arith.constant 0 : i32
        %dma_start3A_246 = tpu.memref_slice %arg2[%dma_start3A_244, %dma_start3A_245] : memref<10000x128xf32, #tpu.memory_space<hbm>> -> memref<10000x128xf32, #tpu.memory_space<hbm>>
        tpu.enqueue_indirect_dma source(%dma_start3A_246 : memref<10000x128xf32, #tpu.memory_space<hbm>>) target(%arg9 : memref<128x128xf32, #tpu.memory_space<vmem>>) offsets(%dma_start3A_243 : memref<128xi32, #tpu.memory_space<vmem>>) semaphore(%arg12 : memref<!tpu.dma_semaphore, #tpu.memory_space<semaphore_mem>>)
      } else {
      }
      %scan3A_238 = arith.constant 0 : i32
      scf.yield %scan3A_238 : i32
    }
    %scan3A_97 = arith.constant 40 : i32
    %barrier3A_98 = arith.constant 0 : index
    tpu.barrier barrier_id(%barrier3A_98)
    %mul3A_99 = arith.constant 640 : i32
    %mul3A_100 = arith.muli %arg1, %mul3A_99 : i32
    %mul3A_101 = arith.constant 640 : i32
    %mul3A_102 = arith.muli %arg1, %mul3A_101 : i32
    "tpu.region"() ({
      %run_scoped3A = tpu.sem_alloc : memref<!tpu.dma_semaphore, #tpu.memory_space<semaphore_mem>>
      %dma_start3A_103 = arith.constant 0 : i32
      %dma_start3A_104 = tpu.memref_slice %arg5[%arg0, %mul3A_102, %dma_start3A_103] : memref<2x10240x128xf32, #tpu.memory_space<hbm>> -> memref<1x640x128xf32, #tpu.memory_space<hbm>>
      %dma_start3A_105 = tpu.memref_squeeze %dma_start3A_104 : memref<1x640x128xf32, #tpu.memory_space<hbm>> -> memref<640x128xf32, #tpu.memory_space<hbm>>
      %dma_start3A_106 = arith.constant 0 : i32
      %dma_start3A_107 = tpu.memref_slice %arg10[%mul3A_100, %dma_start3A_106] : memref<10240x128xf32, #tpu.memory_space<vmem_shared>> -> memref<640x128xf32, #tpu.memory_space<vmem_shared>>
      tpu.enqueue_dma source(%dma_start3A_107 : memref<640x128xf32, #tpu.memory_space<vmem_shared>>) target(%dma_start3A_105 : memref<640x128xf32, #tpu.memory_space<hbm>>) target_semaphore(%run_scoped3A : memref<!tpu.dma_semaphore, #tpu.memory_space<semaphore_mem>>)
      %dma_wait3A_108 = arith.constant 0 : i32
      %dma_wait3A_109 = tpu.memref_slice %arg5[%arg0, %mul3A_102, %dma_wait3A_108] : memref<2x10240x128xf32, #tpu.memory_space<hbm>> -> memref<1x640x128xf32, #tpu.memory_space<hbm>>
      %dma_wait3A_110 = tpu.memref_squeeze %dma_wait3A_109 : memref<1x640x128xf32, #tpu.memory_space<hbm>> -> memref<640x128xf32, #tpu.memory_space<hbm>>
      %dma_wait3A_111 = arith.constant 0 : i32
      %dma_wait3A_112 = tpu.memref_slice %arg10[%mul3A_100, %dma_wait3A_111] : memref<10240x128xf32, #tpu.memory_space<vmem_shared>> -> memref<640x128xf32, #tpu.memory_space<vmem_shared>>
      tpu.wait_dma2 semaphore(%run_scoped3A : memref<!tpu.dma_semaphore, #tpu.memory_space<semaphore_mem>>) src(%dma_wait3A_112 : memref<640x128xf32, #tpu.memory_space<vmem_shared>>) dst(%dma_wait3A_110 : memref<640x128xf32, #tpu.memory_space<hbm>>)
      tpu.yield
    }) : () -> ()
    return
  }
}

module attributes {stable_mosaic.version = 14 : i64} {
  func.func @_ln_mm_scale_body(%arg0: i32, %arg1: memref<1000x128xf32, #tpu.memory_space<vmem>>, %arg2: memref<128x128xf32, #tpu.memory_space<vmem>>, %arg3: memref<1x128xf32, #tpu.memory_space<vmem>>, %arg4: memref<1x128xf32, #tpu.memory_space<vmem>>, %arg5: memref<1000x1xf32, #tpu.memory_space<vmem>>, %arg6: memref<1x128xf32, #tpu.memory_space<vmem>>, %arg7: memref<1000x128xf32, #tpu.memory_space<vmem>>, %arg8: memref<1000x128xf32, #tpu.memory_space<vmem>>) attributes {dimension_semantics = [#tpu.dimension_semantics<arbitrary>], iteration_bounds = array<i64: 10>, scalar_prefetch = 0 : i64, scratch_operands = 0 : i64, tpu.core_type = #tpu.core_type<tc>, window_params = [{transform_indices = @transform_0, window_bounds = array<i64: 1000, 128>}, {pipeline_mode = #tpu.pipeline_mode<synchronous>, transform_indices = @transform_1, window_bounds = array<i64: 128, 128>}, {pipeline_mode = #tpu.pipeline_mode<synchronous>, transform_indices = @transform_2, window_bounds = array<i64: 1, 128>}, {pipeline_mode = #tpu.pipeline_mode<synchronous>, transform_indices = @transform_3, window_bounds = array<i64: 1, 128>}, {transform_indices = @transform_4, window_bounds = array<i64: 1000, 1>}, {pipeline_mode = #tpu.pipeline_mode<synchronous>, transform_indices = @transform_5, window_bounds = array<i64: 1, 128>}, {transform_indices = @transform_6, window_bounds = array<i64: 1000, 128>}, {transform_indices = @transform_7, window_bounds = array<i64: 1000, 128>}]} {
    %get3A = arith.constant 0 : index
    %get3A_0 = arith.constant 0 : index
    %get3A_1 = vector.load %arg1[%get3A, %get3A_0] : memref<1000x128xf32, #tpu.memory_space<vmem>>, vector<1000x128xf32>
    %reduce_sum3A = arith.constant dense<0.000000e+00> : vector<1000xf32>
    %reduce_sum3A_2 = vector.multi_reduction <add>, %get3A_1, %reduce_sum3A [1] : vector<1000x128xf32> to vector<1000xf32>
    %broadcast_in_dim3A = vector.shape_cast %reduce_sum3A_2 : vector<1000xf32> to vector<1000x1xf32>
    %div3A = arith.constant 1.280000e+02 : f32
    %div3A_3 = vector.broadcast %div3A : f32 to vector<1000x1xf32>
    %div3A_4 = arith.divf %broadcast_in_dim3A, %div3A_3 : vector<1000x1xf32>
    %sub3A = vector.broadcast %div3A_4 : vector<1000x1xf32> to vector<1000x128xf32>
    %sub3A_5 = arith.subf %get3A_1, %sub3A : vector<1000x128xf32>
    %mul3A = arith.mulf %sub3A_5, %sub3A_5 : vector<1000x128xf32>
    %reduce_sum3A_6 = arith.constant dense<0.000000e+00> : vector<1000xf32>
    %reduce_sum3A_7 = vector.multi_reduction <add>, %mul3A, %reduce_sum3A_6 [1] : vector<1000x128xf32> to vector<1000xf32>
    %broadcast_in_dim3A_8 = vector.shape_cast %reduce_sum3A_7 : vector<1000xf32> to vector<1000x1xf32>
    %div3A_9 = arith.constant 1.280000e+02 : f32
    %div3A_10 = vector.broadcast %div3A_9 : f32 to vector<1000x1xf32>
    %div3A_11 = arith.divf %broadcast_in_dim3A_8, %div3A_10 : vector<1000x1xf32>
    %add3A = arith.constant 9.99999974E-6 : f32
    %add3A_12 = vector.broadcast %add3A : f32 to vector<1000x1xf32>
    %add3A_13 = arith.addf %div3A_11, %add3A_12 : vector<1000x1xf32>
    %rsqrt3A = math.rsqrt %add3A_13 : vector<1000x1xf32>
    %mul3A_14 = vector.broadcast %rsqrt3A : vector<1000x1xf32> to vector<1000x128xf32>
    %mul3A_15 = arith.mulf %sub3A_5, %mul3A_14 : vector<1000x128xf32>
    %get3A_16 = arith.constant 0 : index
    %get3A_17 = arith.constant 0 : index
    %get3A_18 = vector.load %arg3[%get3A_16, %get3A_17] : memref<1x128xf32, #tpu.memory_space<vmem>>, vector<1x128xf32>
    %mul3A_19 = vector.broadcast %get3A_18 : vector<1x128xf32> to vector<1000x128xf32>
    %mul3A_20 = arith.mulf %mul3A_15, %mul3A_19 : vector<1000x128xf32>
    %get3A_21 = arith.constant 0 : index
    %get3A_22 = arith.constant 0 : index
    %get3A_23 = vector.load %arg4[%get3A_21, %get3A_22] : memref<1x128xf32, #tpu.memory_space<vmem>>, vector<1x128xf32>
    %add3A_24 = vector.broadcast %get3A_23 : vector<1x128xf32> to vector<1000x128xf32>
    %add3A_25 = arith.addf %mul3A_20, %add3A_24 : vector<1000x128xf32>
    %get3A_26 = arith.constant 0 : index
    %get3A_27 = arith.constant 0 : index
    %get3A_28 = vector.load %arg2[%get3A_26, %get3A_27] : memref<128x128xf32, #tpu.memory_space<vmem>>, vector<128x128xf32>
    %dot_general3A = arith.constant dense<0.000000e+00> : vector<1000x128xf32>
    %dot_general3A_29 = tpu.matmul %add3A_25, %get3A_28, %dot_general3A {dimension_numbers = #tpu.dot_dimension_numbers<[1], [0], [0], [1], [0, 0, 1, 1], [], []>, transpose_lhs_hint = false} : vector<1000x128xf32>, vector<128x128xf32>, vector<1000x128xf32> -> vector<1000x128xf32>
    %get3A_30 = arith.constant 0 : index
    %get3A_31 = arith.constant 0 : index
    %get3A_32 = vector.load %arg5[%get3A_30, %get3A_31] : memref<1000x1xf32, #tpu.memory_space<vmem>>, vector<1000x1xf32>
    %rsqrt3A_33 = math.rsqrt %get3A_32 : vector<1000x1xf32>
    %mul3A_34 = vector.broadcast %rsqrt3A_33 : vector<1000x1xf32> to vector<1000x128xf32>
    %mul3A_35 = arith.mulf %dot_general3A_29, %mul3A_34 : vector<1000x128xf32>
    %swap3A = arith.constant 0 : index
    %swap3A_36 = arith.constant 0 : index
    %swap3A_37 = vector.load %arg7[%swap3A, %swap3A_36] : memref<1000x128xf32, #tpu.memory_space<vmem>>, vector<1000x128xf32>
    tpu.vector_store %arg7[%swap3A, %swap3A_36], %mul3A_35 {strides = array<i32>} : memref<1000x128xf32, #tpu.memory_space<vmem>>, vector<1000x128xf32>,
    %get3A_38 = arith.constant 0 : index
    %get3A_39 = arith.constant 0 : index
    %get3A_40 = vector.load %arg6[%get3A_38, %get3A_39] : memref<1x128xf32, #tpu.memory_space<vmem>>, vector<1x128xf32>
    %add3A_41 = vector.broadcast %get3A_40 : vector<1x128xf32> to vector<1000x128xf32>
    %add3A_42 = arith.addf %get3A_1, %add3A_41 : vector<1000x128xf32>
    %mul3A_43 = arith.mulf %rsqrt3A_33, %rsqrt3A_33 : vector<1000x1xf32>
    %mul3A_44 = vector.broadcast %mul3A_43 : vector<1000x1xf32> to vector<1000x128xf32>
    %mul3A_45 = arith.mulf %mul3A_44, %dot_general3A_29 : vector<1000x128xf32>
    %add3A_46 = arith.addf %add3A_42, %mul3A_45 : vector<1000x128xf32>
    %swap3A_47 = arith.constant 0 : index
    %swap3A_48 = arith.constant 0 : index
    %swap3A_49 = vector.load %arg8[%swap3A_47, %swap3A_48] : memref<1000x128xf32, #tpu.memory_space<vmem>>, vector<1000x128xf32>
    tpu.vector_store %arg8[%swap3A_47, %swap3A_48], %add3A_46 {strides = array<i32>} : memref<1000x128xf32, #tpu.memory_space<vmem>>, vector<1000x128xf32>,
    return
  }
  func.func @transform_0(%arg0: i32) -> (i32, i32) {
    %c0_i32 = arith.constant 0 : i32
    %c0_i32_0 = arith.constant 0 : i32
    return %arg0, %c0_i32 : i32, i32
  }
  func.func @transform_1(%arg0: i32) -> (i32, i32) {
    %c0_i32 = arith.constant 0 : i32
    %c0_i32_0 = arith.constant 0 : i32
    %c0_i32_1 = arith.constant 0 : i32
    return %c0_i32, %c0_i32_0 : i32, i32
  }
  func.func @transform_2(%arg0: i32) -> (i32, i32) {
    %c0_i32 = arith.constant 0 : i32
    %c0_i32_0 = arith.constant 0 : i32
    %c0_i32_1 = arith.constant 0 : i32
    return %c0_i32, %c0_i32_0 : i32, i32
  }
  func.func @transform_3(%arg0: i32) -> (i32, i32) {
    %c0_i32 = arith.constant 0 : i32
    %c0_i32_0 = arith.constant 0 : i32
    %c0_i32_1 = arith.constant 0 : i32
    return %c0_i32, %c0_i32_0 : i32, i32
  }
  func.func @transform_4(%arg0: i32) -> (i32, i32) {
    %c0_i32 = arith.constant 0 : i32
    %c0_i32_0 = arith.constant 0 : i32
    return %arg0, %c0_i32 : i32, i32
  }
  func.func @transform_5(%arg0: i32) -> (i32, i32) {
    %c0_i32 = arith.constant 0 : i32
    %c0_i32_0 = arith.constant 0 : i32
    %c0_i32_1 = arith.constant 0 : i32
    return %c0_i32, %c0_i32_0 : i32, i32
  }
  func.func @transform_6(%arg0: i32) -> (i32, i32) {
    %c0_i32 = arith.constant 0 : i32
    %c0_i32_0 = arith.constant 0 : i32
    return %arg0, %c0_i32 : i32, i32
  }
  func.func @transform_7(%arg0: i32) -> (i32, i32) {
    %c0_i32 = arith.constant 0 : i32
    %c0_i32_0 = arith.constant 0 : i32
    return %arg0, %c0_i32 : i32, i32
  }
}

module attributes {stable_mosaic.version = 14 : i64} {
  func.func @_combine_body(%arg0: i32, %arg1: memref<2x1000x128xf32, #tpu.memory_space<vmem>>, %arg2: memref<1000x1xf32, #tpu.memory_space<vmem>>, %arg3: memref<1000x128xf32, #tpu.memory_space<vmem>>, %arg4: memref<1000x128xf32, #tpu.memory_space<vmem>>) attributes {dimension_semantics = [#tpu.dimension_semantics<arbitrary>], iteration_bounds = array<i64: 10>, scalar_prefetch = 0 : i64, scratch_operands = 0 : i64, tpu.core_type = #tpu.core_type<tc>, window_params = [{transform_indices = @transform_0, window_bounds = array<i64: 2, 1000, 128>}, {transform_indices = @transform_1, window_bounds = array<i64: 1000, 1>}, {transform_indices = @transform_2, window_bounds = array<i64: 1000, 128>}, {transform_indices = @transform_3, window_bounds = array<i64: 1000, 128>}]} {
    %get3A = arith.constant 0 : index
    %get3A_0 = arith.constant 0 : index
    %get3A_1 = vector.load %arg2[%get3A, %get3A_0] : memref<1000x1xf32, #tpu.memory_space<vmem>>, vector<1000x1xf32>
    %rsqrt3A = math.rsqrt %get3A_1 : vector<1000x1xf32>
    %get3A_2 = arith.constant 0 : index
    %get3A_3 = arith.constant 0 : index
    %get3A_4 = arith.constant 0 : index
    %get3A_5 = vector.load %arg1[%get3A_2, %get3A_3, %get3A_4] : memref<2x1000x128xf32, #tpu.memory_space<vmem>>, vector<1x1000x128xf32>
    %get3A_6 = vector.shape_cast %get3A_5 : vector<1x1000x128xf32> to vector<1000x128xf32>
    %get3A_7 = arith.constant 1 : index
    %get3A_8 = arith.constant 0 : index
    %get3A_9 = arith.constant 0 : index
    %get3A_10 = vector.load %arg1[%get3A_7, %get3A_8, %get3A_9] : memref<2x1000x128xf32, #tpu.memory_space<vmem>>, vector<1x1000x128xf32>
    %get3A_11 = vector.shape_cast %get3A_10 : vector<1x1000x128xf32> to vector<1000x128xf32>
    %add3A = arith.addf %get3A_6, %get3A_11 : vector<1000x128xf32>
    %mul3A = vector.broadcast %rsqrt3A : vector<1000x1xf32> to vector<1000x128xf32>
    %mul3A_12 = arith.mulf %mul3A, %add3A : vector<1000x128xf32>
    %get3A_13 = arith.constant 0 : index
    %get3A_14 = arith.constant 0 : index
    %get3A_15 = vector.load %arg3[%get3A_13, %get3A_14] : memref<1000x128xf32, #tpu.memory_space<vmem>>, vector<1000x128xf32>
    %add3A_16 = arith.addf %mul3A_12, %get3A_15 : vector<1000x128xf32>
    %max3A = arith.constant 0.000000e+00 : f32
    %max3A_17 = vector.broadcast %max3A : f32 to vector<1000x128xf32>
    %max3A_18 = arith.maximumf %add3A_16, %max3A_17 : vector<1000x128xf32>
    %swap3A = arith.constant 0 : index
    %swap3A_19 = arith.constant 0 : index
    %swap3A_20 = vector.load %arg4[%swap3A, %swap3A_19] : memref<1000x128xf32, #tpu.memory_space<vmem>>, vector<1000x128xf32>
    tpu.vector_store %arg4[%swap3A, %swap3A_19], %max3A_18 {strides = array<i32>} : memref<1000x128xf32, #tpu.memory_space<vmem>>, vector<1000x128xf32>,
    return
  }
  func.func @transform_0(%arg0: i32) -> (i32, i32, i32) {
    %c0_i32 = arith.constant 0 : i32
    %c0_i32_0 = arith.constant 0 : i32
    %c0_i32_1 = arith.constant 0 : i32
    return %c0_i32, %arg0, %c0_i32_0 : i32, i32, i32
  }
  func.func @transform_1(%arg0: i32) -> (i32, i32) {
    %c0_i32 = arith.constant 0 : i32
    %c0_i32_0 = arith.constant 0 : i32
    return %arg0, %c0_i32 : i32, i32
  }
  func.func @transform_2(%arg0: i32) -> (i32, i32) {
    %c0_i32 = arith.constant 0 : i32
    %c0_i32_0 = arith.constant 0 : i32
    return %arg0, %c0_i32 : i32, i32
  }
  func.func @transform_3(%arg0: i32) -> (i32, i32) {
    %c0_i32 = arith.constant 0 : i32
    %c0_i32_0 = arith.constant 0 : i32
    return %arg0, %c0_i32 : i32, i32
  }
}

</mosaic_0001>

<sc_bundles>
// kernel: kernel.6.cloned.1.call-start
scs
__scs_entry_jumppad:
0x0: {  	(pc) =	sbr.rel $0x88, $3  }
0x1: {  	(tag) =	ssettag $0x0;
	lr =	simm.s32 $0x1  }
0x2: {  	[smem:$0x3F9A] =	sst lr;
	_ =	strace $0xD0000000  }
0x3: {  	_ = 	snop  }
0x4: {  	_ = 	snop  }
0x5: {  	_ = 	snop  }
0x6: {  	_ = 	snop  }
0x7: {  	_ = 	snop  }
__scs_overlays_trampoline_lowered:
0x8: {  	[smem:$0x3FA9] =	sst s0  }
0x9: {  	[smem:$0x3FAA] =	sst s1  }
0xa: {  	[smem:$0x3FAB] =	sst s2  }
0xb: {  	[smem:$0x3FAC] =	sst s3  }
0xc: {  	[smem:$0x3FAD] =	sst s4  }
0xd: {  	[smem:$0x3FAE] =	sst s5  }
0xe: {  	[smem:$0x3FAF] =	sst s6  }
0xf: {  	[smem:$0x3FB0] =	sst s7  }
0x10: {  	[smem:$0x3FB1] =	sst s8  }
0x11: {  	[smem:$0x3FB2] =	sst s9;
	s0 =	simm.s32 @!p0 $0x0  }
0x12: {  	s1 =	sld [smem:$0x3F98];
	s0 =	simm.s32 @p0 $0x1  }
0x13: {  	[smem:$0x3FB3] =	sst s0;
	s0 =	simm.s32 @!p1 $0x0  }
0x14: {  	s2 =	sld [smem:$0x3F97];
	s0 =	simm.s32 @p1 $0x1  }
0x15: {  	[smem:$0x3FB4] =	sst s0;
	s0 =	simm.s32 @!p2 $0x0  }
0x16: {  	s3 =	sld [smem:$0x3FDB];
	s0 =	simm.s32 @p2 $0x1  }
0x17: {  	s4 =	simm.s32 $0x1BF5;
	[smem:$0x3FB6] =	sst s0  }
0x18: {  	s0 =	sld [smem:$0x3F99];
	_ =	swait.ge [sflag:s4], $0x0  }
0x19: {  	s7 =	sld [smem:$0x3F9A]  }
0x1a: {  	s8 =	sadd.s32 $0xFFFFE003, lr  }
0x1b: {  	s9 =	sadd.s32 $0xFFFFFEF7, lr;
	s5 =	simm.s32 $0xFFFFFFFF;
	p2 =	slt.u32 s8, $0xFFFFF086  }
0x1c: {  	p1 =	slt.u32 s9, $0xF7A;
	s5 =	simm.s32 @!p2 $0x0  }
0x1d: {  	s5 =	simm.s32 @p1 $0x1;
	p0 =	seq.s32 s7, s2  }
0x1e: {  	s7 =	smul.u32 @!p0 $0xF7A, s2;
	p2 =	seq.s32 @!p0 s5, $0x0  }
0x1f: {  	s9 =	smul.u32 $0xF7A, s1;
	s8 =	simm.s32 @!p0 $0x1BF5;
	p2 =	por !p2, p0  }
0x20: {  	[sflag:s8] =	ssyncset.s32 @!p0 $0xFFFFF086;
	s6 =	sadd.s32 @!p0 s3, s7;
	s7 =	simm.s32 @!p0 $0x108  }
0x21: {  	s3 =	sadd.s32 s3, s9;
	s6 =	sadd.s32 @!p0 $0x88, s6;
	s7 =	simm.s32 @p2 $0x1082  }
0x22: {  	[simem:s7], [sflag:s8] =	dma.local @!p0 [hbm:s6], $0xF7A  }
0x23: {  	s9 =	sor.u32 $0xD0000000, s2;
	s6 =	simm.s32 $0x108;
	_ =	swait.ge @!p0 [sflag:s8], $0x0  }
0x24: {  	s3 =	sadd.s32 $0x88, s3;
	s6 =	simm.s32 @!p1 $0x1082;
	[sflag:s4] =	ssyncset.s32 $0xFFFFF086  }
0x25: {  	[simem:s6], [sflag:s4] =	dma.local [hbm:s3], $0xF7A  }
0x26: {  	[smem:$0x3F9A] =	sst s1;
	(tag) =	ssettag s2;
	_ =	strace s9  }
0x27: {  	s1 =	sld [smem:$0x3FAA]  }
0x28: {  	s2 =	sld [smem:$0x3FAB]  }
0x29: {  	s4 =	sld [smem:$0x3FAD]  }
0x2a: {  	p0 =	seq.s32 s5, $0x0;
	s5 =	sld [smem:$0x3FAE]  }
0x2b: {  	s6 =	sld [smem:$0x3FAF]  }
0x2c: {  	s7 =	sld [smem:$0x3FB0]  }
0x2d: {  	s3 =	simm.s32 $0x108;
	s8 =	sld [smem:$0x3FB1]  }
0x2e: {  	s3 =	simm.s32 @!p0 $0x1082;
	s9 =	sld [smem:$0x3FB2]  }
0x2f: {  	lr =	sadd.s32 s0, s3;
	s0 =	sld [smem:$0x3FA9]  }
0x30: {  	s3 =	sld [smem:$0x3FAC]  }
0x31: {  	[smem:$0x3FB5] =	sst s10  }
0x32: {  	s10 =	sld [smem:$0x3FB3];
	_ =	sdelay $0x3  }
0x33: {  	p0 =	seq.s32 s10, $0x1;
	s10 =	sld [smem:$0x3FB5];
	_ =	sdelay $0x3  }
0x34: {  	[smem:$0x3FB5] =	sst s10  }
0x35: {  	s10 =	sld [smem:$0x3FB4];
	_ =	sdelay $0x3  }
0x36: {  	p1 =	seq.s32 s10, $0x1;
	s10 =	sld [smem:$0x3FB5];
	_ =	sdelay $0x3  }
0x37: {  	[smem:$0x3FB5] =	sst s10  }
0x38: {  	s10 =	sld [smem:$0x3FB6]  }
0x39: {  	_ = 	snop;
	(pc) =	sbr.ind lr, $3  }
0x3a: {  	_ = 	snop  }
0x3b: {  	_ = 	snop  }
0x3c: {  	p2 =	seq.s32 s10, $0x1;
	s10 =	sld [smem:$0x3FB5]  }
0x3d: {  	_ =	shalt  }
0x3e: {  	_ =	shalt  }
0x3f: {  	_ =	shalt  }
0x40: {  	_ =	shalt  }
0x41: {  	_ =	shalt  }
0x42: {  	_ =	shalt  }
0x43: {  	_ =	shalt  }
0x44: {  	_ =	shalt  }
0x45: {  	_ =	shalt  }
0x46: {  	_ =	shalt  }
0x47: {  	_ =	shalt  }
0x48: {  	_ =	shalt  }
0x49: {  	_ =	shalt  }
0x4a: {  	_ =	shalt  }
0x4b: {  	_ =	shalt  }
0x4c: {  	_ =	shalt  }
0x4d: {  	_ =	shalt  }
0x4e: {  	_ =	shalt  }
0x4f: {  	_ =	shalt  }
0x50: {  	_ =	shalt  }
0x51: {  	_ =	shalt  }
0x52: {  	_ =	shalt  }
0x53: {  	_ =	shalt  }
0x54: {  	_ =	shalt  }
0x55: {  	_ =	shalt  }
0x56: {  	_ =	shalt  }
0x57: {  	_ =	shalt  }
0x58: {  	_ =	shalt  }
0x59: {  	_ =	shalt  }
0x5a: {  	_ =	shalt  }
0x5b: {  	_ =	shalt  }
0x5c: {  	_ =	shalt  }
0x5d: {  	_ =	shalt  }
0x5e: {  	_ =	shalt  }
0x5f: {  	_ =	shalt  }
0x60: {  	_ =	shalt  }
0x61: {  	_ =	shalt  }
0x62: {  	_ =	shalt  }
0x63: {  	_ =	shalt  }
0x64: {  	_ =	shalt  }
0x65: {  	_ =	shalt  }
0x66: {  	_ =	shalt  }
0x67: {  	_ =	shalt  }
0x68: {  	_ =	shalt  }
0x69: {  	_ =	shalt  }
0x6a: {  	_ =	shalt  }
0x6b: {  	_ =	shalt  }
0x6c: {  	_ =	shalt  }
0x6d: {  	_ =	shalt  }
0x6e: {  	_ =	shalt  }
0x6f: {  	_ =	shalt  }
0x70: {  	_ =	shalt  }
0x71: {  	_ =	shalt  }
0x72: {  	_ =	shalt  }
0x73: {  	_ =	shalt  }
0x74: {  	_ =	shalt  }
0x75: {  	_ =	shalt  }
0x76: {  	_ =	shalt  }
0x77: {  	_ =	shalt  }
0x78: {  	_ =	shalt  }
0x79: {  	_ =	shalt  }
0x7a: {  	_ =	shalt  }
0x7b: {  	_ =	shalt  }
0x7c: {  	_ =	shalt  }
0x7d: {  	_ =	shalt  }
0x7e: {  	_ =	shalt  }
0x7f: {  	_ =	shalt  }
0x80: {  	_ =	shalt  }
0x81: {  	_ =	shalt  }
0x82: {  	_ =	shalt  }
0x83: {  	_ =	shalt  }
0x84: {  	_ =	shalt  }
0x85: {  	_ =	shalt  }
0x86: {  	_ =	shalt  }
0x87: {  	_ =	shalt  }
.Lfunc_end0:
.L_simem_size_0:
called_computation_lowered:
.L_overlay_start_0:
0x88: {  	s2 =	sld [smem:$0x3FD9]  }
0x89: {  	s3 =	sld [smem:$0x3FFE];
	_ =	sdelay $0x1  }
0x8a: {  	s1 =	srdreg.scid  }
0x8b: {  	s0 =	sand.u32 $0x1, s1  }
0x8c: {  	s15 =	sshll.u32 s0, $0xA;
	s2 =	sadd.s32 s3, s2  }
0x8d: {  	s2 =	sadd.s32 s2, s15  }
0x8e: {  	[smem:$0x3FC1] =	sst s2  }
0x8f: {  	_ = 	snop  }
0x90: {  	s2 =	sld [smem:$0x3FD0];
	_ =	sdelay $0x2  }
0x91: {  	s16 =	simm.s32 $0xA;
	s4 =	simm.s32 $0x10  }
0x92: {  	[smem:s4], [sflag:s16] =	dma.local [hbm:s2], $0x1  }
0x93: {  	_ =	swait.eq [sflag:s16], $0x1  }
0x94: {  	[sflag:s16] =	ssyncset.done $0x0  }
0x95: {  	s17 =	sld [smem:$0x10];
	[sflag:s16] =	ssyncadd.s32 $0xFFFFFFFF  }
0x96: {  	s18 =	sld [smem:$0x11];
	(tm) =	ssettm $0x1  }
0x97: {  	s19 =	sld [smem:$0x3FFB];
	_ =	sdelay $0x3  }
0x98: {  	_ =	strace s19  }
0x99: {  	s4 =	sld [smem:$0x3FFC];
	_ =	sdelay $0x3  }
0x9a: {  	_ =	strace s4  }
0x9b: {  	s4 =	sld [smem:$0x3FFD];
	_ =	sdelay $0x3  }
0x9c: {  	_ =	strace s4  }
0x9d: {  	_ =	strace $0x8FFFFFFF  }
0x9e: {  	s20 =	sld [smem:$0x3FDB];
	_ =	sdelay $0x1  }
0x9f: {  	s5 =	simm.s32 $_scs_section_size  }
0xa0: {  	s6 =	simm.s32 $_size__tile_overlayer_lowered;
	s7 =	simm.s32 $_tile_overlayer_lowered  }
0xa1: {  	s23 =	simm.s32 $0x1BFF;
	s22 =	sshll.u32 s7, $0x1;
	s4 =	sadd.s32 s5, s20  }
0xa2: {  	s8 =	simm.s32 $0x0;
	s21 =	sshll.u32 s6, $0x1;
	s6 =	sadd.s32 s22, s4  }
0xa3: {  	[timem:s8], [sflag:s23] =	dma.local [hbm:s6], s21  }
0xa4: {  	_ =	swait.ge [sflag:s23], s21  }
0xa5: {  	s5 =	ssub.s32 $0x0, s21;
	[sflag:s23] =	ssyncset.done $0x0  }
0xa6: {  	[sflag:s23] =	ssyncadd.s32 s5;
	_ =	sdelay $0x1  }
0xa7: {  	s24 =	simm.s32 $0x1B8B  }
0xa8: {  	_ =	swait.ge [sflag:s24], $0x1  }
0xa9: {  	[sflag:s24] =	ssyncset.done $0x0  }
0xaa: {  	s25 =	simm.s32 $0x1B8E;
	[sflag:s24] =	ssyncadd.s32 $0xFFFFFFFF  }
0xab: {  	s26 =	simm.s32 $execute0_lowered;
	[smem:$0x3FD2] =	sst s25  }
0xac: {  	s5 =	sshll.u32 s26, $0x1;
	_ =	strace $0x80000046;
	[dreg:$0x1] =	wrdreg $0xFFFFFFFF  }
0xad: {  	s28 =	simm.s32 $_size_execute0_lowered;
	s4 =	sadd.s32 s4, s5;
	[dreg:$0x0] =	wrdreg $0x0  }
0xae: {  	s5 =	sshll.u32 s28, $0x1;
	[dreg:$0x2] =	wrdreg s4  }
0xaf: {  	[dreg:$0x3] =	wrdreg s5  }
0xb0: {  	[dreg:$0x4] =	wrdreg $0xC0  }
0xb1: {  	_ =	task [dreg:s8], $0x5FFFF  }
0xb2: {  	[dreg:$0x1] =	wrdreg $0xFFFFFFFF  }
0xb3: {  	[dreg:$0x0] =	wrdreg $0x60  }
0xb4: {  	[dreg:$0x2] =	wrdreg s17  }
0xb5: {  	[dreg:$0x3] =	wrdreg s18  }
0xb6: {  	[dreg:$0x4] =	wrdreg $0x43000  }
0xb7: {  	[dreg:$0x5] =	wrdreg $0x9  }
0xb8: {  	_ =	task.clear_ibuf [dreg:s8], $0x6FFFF;
	_ =	strace $0x90000046  }
0xb9: {  	s29 =	simm.s32 $0x9;
	_ =	strace $0x80000048  }
0xba: {  	_ =	swait.ge [sflag:s29], $0x1  }
0xbb: {  	[sflag:s29] =	ssyncadd.s32 $0xFFFFFFFF  }
0xbc: {  	_ =	strace $0x90000048  }
0xbd: {  	_ =	sfence  }
0xbe: {  	s30 =	sld [smem:$0x0];
	_ =	sdelay $0x2  }
0xbf: {  	s31 =	sshll.u32 s1, $0xD;
	s1 =	sshrl.u32 s1, $0x2  }
0xc0: {  	s3 =	sand.u32 $0x4000, s31;
	s1 =	sadd.s32 s1, s30  }
0xc1: {  	s0 =	sor.u32 s3, s0;
	s1 =	sshll.u32 s1, $0x11  }
0xc2: {  	s0 =	sor.u32 s1, s0  }
0xc3: {  	s0 =	sadd.s32 $0x8F2B, s0  }
0xc4: {  	[sflag:s0] =	ssyncadd.remote.s32 $0x1  }
0xc5: {  	_ =	sfence.sel $0xFFFF  }
0xc6: {  	[dreg:$0x0] =	wrdreg $0xFFFFFFFF;
	(pc) =	sbr.abs _section_cstart, $3  }
0xc7: {  	[dreg:$0x1] =	wrdreg $0xFFFFFFFF  }
0xc8: {  	_ =	task.clear_ibuf [dreg:s8], $0x2FFFF;
	_ =	strace $0x9FFFFFFF  }
0xc9: {  	(tm) =	ssettm $0x7FFFFFFF  }
tec
execute0_lowered:
.L_overlay_start_1:
0x0: {  	(tag) =	ssettag $0x1  }
0x1: {  	s0 =	rddreg [dreg:$0x0]  }
0x2: {  	s1 =	rddreg [dreg:$0x1]  }
0x3: {  	s2 =	rddreg [dreg:$0x2];
	s3 =	srdreg.scid  }
0x4: {  	s9 =	stileid.u32;
	s20 =	simm.s32 $0x3000;
	s21 =	simm.s32 $0x3800  }
0x5: {  	s22 =	simm.s32 $0x4080;
	s23 =	simm.s32 $0x4;
	s24 =	simm.s32 $0x1  }
0x6: {  	s25 =	simm.s32 $0x80;
	s28 =	simm.s32 $0x2;
	s29 =	simm.s32 $0x3  }
0x7: {  	s30 =	simm.s32 $0x0;
	s4 =	sand.u32 $0x1, s3;
	s3 =	simm.s32 $0x0  }
0x8: {  	s6 =	smul.u32 $0x280, s9;
	s26 =	sshll.u32 s9, $0xB;
	s5 =	ssub.s32 $0x2, s4  }
0x9: {  	[smem:$0x7FF] =	sst s3;
	s8 =	smul.u32 $0x2800, s4;
	s4 =	sshll.u32 s4, $0xF  }
0xa: {  	s0 =	sadd.s32 s0, s26;
	s26 =	simm.s32 $0x4000;
	s7 =	sshrl.u32 s5, $0x1  }
0xb: {  	_ =	strace $0x80000047;
	s4 =	sadd.s32 s4, s0;
	s7 =	ssub.s32 s5, s7  }
0xc: {  	s8 =	sadd.s32 s6, s8;
	s5 =	sadd.s32 s6, s2;
	s9 =	sadd.s32 $0x200, s4  }
0xd: {  	s10 =	sadd.s32 $0x300, s4;
	s11 =	sadd.s32 $0x400, s4;
	s12 =	sadd.s32 $0x500, s4  }
0xe: {  	s13 =	sadd.s32 $0x600, s4;
	s14 =	sadd.s32 $0x700, s4;
	s31 =	sshrl.u32 s8, $0x3  }
0xf: {  	v0 =	vimm.f32 $1.000000000e+00;
	v1 =	vimm.f32 $0.0e+00;
	s7 =	smax.u32 s7, $0x1;
	s8 =	sadd.s32 $0x100, s4;
	s6 =	sadd.s32 s1, s31  }
.LBB2_1:
0x10: {  	[tilespmem:s3], [sflag:$0x1] =	stream.linear.gather [hbm4b:s4+s3], $0x500, $0x38;
	[tilespmem:$0x4580] =	vst v63  }
0x11: {  	s0 =	simm.s32 $0x800  }
0x12: {  	[tilespmem:s0], [sflag:$0x1] =	stream.linear.gather [hbm4b:s8+s3], $0x500, $0x38;
	[tilespmem:$0x4580] =	vst v63  }
0x13: {  	s19 =	simm.s32 $0x1000  }
0x14: {  	[tilespmem:s19], [sflag:$0x1] =	stream.linear.gather [hbm4b:s9+s3], $0x500, $0x38;
	[tilespmem:$0x4580] =	vst v63  }
0x15: {  	s1 =	simm.s32 $0x1800  }
0x16: {  	[tilespmem:s1], [sflag:$0x1] =	stream.linear.gather [hbm4b:s10+s3], $0x500, $0x38;
	[tilespmem:$0x4580] =	vst v63  }
0x17: {  	s15 =	simm.s32 $0x2000  }
0x18: {  	[tilespmem:s15], [sflag:$0x1] =	stream.linear.gather [hbm4b:s11+s3], $0x500, $0x38;
	[tilespmem:$0x4580] =	vst v63  }
0x19: {  	s16 =	simm.s32 $0x2800  }
0x1a: {  	[tilespmem:s16], [sflag:$0x1] =	stream.linear.gather [hbm4b:s12+s3], $0x500, $0x38;
	[tilespmem:$0x4580] =	vst v63  }
0x1b: {  	_ = 	snop  }
0x1c: {  	[tilespmem:s20], [sflag:$0x1] =	stream.linear.gather [hbm4b:s13+s3], $0x500, $0x38;
	[tilespmem:$0x4580] =	vst v63  }
0x1d: {  	_ = 	snop  }
0x1e: {  	[tilespmem:s21], [sflag:$0x1] =	stream.linear.gather [hbm4b:s14+s3], $0x500, $0x38;
	[tilespmem:$0x4580] =	vst v63  }
0x1f: {  	[tilespmem:$0x4000] =	vst v0  }
0x20: {  	[tilespmem:$0x4010] =	vst v0  }
0x21: {  	[tilespmem:$0x4020] =	vst v0  }
0x22: {  	[tilespmem:$0x4030] =	vst v0  }
0x23: {  	[tilespmem:$0x4040] =	vst v0  }
0x24: {  	[tilespmem:$0x4050] =	vst v0  }
0x25: {  	[tilespmem:$0x4060] =	vst v0  }
0x26: {  	[tilespmem:$0x4070] =	vst v0  }
0x27: {  	[tilespmem:$0x4080] =	vst v1  }
0x28: {  	[tilespmem:$0x4090] =	vst v1  }
0x29: {  	[tilespmem:$0x40A0] =	vst v1  }
0x2a: {  	[tilespmem:$0x40B0] =	vst v1  }
0x2b: {  	[tilespmem:$0x40C0] =	vst v1  }
0x2c: {  	[tilespmem:$0x40D0] =	vst v1  }
0x2d: {  	[tilespmem:$0x40E0] =	vst v1  }
0x2e: {  	[tilespmem:$0x40F0] =	vst v1  }
0x2f: {  	[tilespmem:$0x4100] =	vst v1  }
0x30: {  	[tilespmem:$0x4110] =	vst v1  }
0x31: {  	[tilespmem:$0x4120] =	vst v1  }
0x32: {  	[tilespmem:$0x4130] =	vst v1  }
0x33: {  	[tilespmem:$0x4140] =	vst v1  }
0x34: {  	[tilespmem:$0x4150] =	vst v1  }
0x35: {  	[tilespmem:$0x4160] =	vst v1  }
0x36: {  	[tilespmem:$0x4170] =	vst v1  }
0x37: {  	[tilespmem:$0x4180] =	vst v1  }
0x38: {  	[tilespmem:$0x4190] =	vst v1  }
0x39: {  	[tilespmem:$0x41A0] =	vst v1  }
0x3a: {  	[tilespmem:$0x41B0] =	vst v1  }
0x3b: {  	[tilespmem:$0x41C0] =	vst v1  }
0x3c: {  	[tilespmem:$0x41D0] =	vst v1  }
0x3d: {  	[tilespmem:$0x41E0] =	vst v1  }
0x3e: {  	[tilespmem:$0x41F0] =	vst v1  }
0x3f: {  	[tilespmem:$0x4200] =	vst v1  }
0x40: {  	[tilespmem:$0x4210] =	vst v1  }
0x41: {  	[tilespmem:$0x4220] =	vst v1  }
0x42: {  	[tilespmem:$0x4230] =	vst v1  }
0x43: {  	[tilespmem:$0x4240] =	vst v1  }
0x44: {  	[tilespmem:$0x4250] =	vst v1  }
0x45: {  	[tilespmem:$0x4260] =	vst v1  }
0x46: {  	[tilespmem:$0x4270] =	vst v1  }
0x47: {  	[tilespmem:$0x4280] =	vst v1  }
0x48: {  	[tilespmem:$0x4290] =	vst v1  }
0x49: {  	[tilespmem:$0x42A0] =	vst v1  }
0x4a: {  	[tilespmem:$0x42B0] =	vst v1  }
0x4b: {  	[tilespmem:$0x42C0] =	vst v1  }
0x4c: {  	[tilespmem:$0x42D0] =	vst v1  }
0x4d: {  	[tilespmem:$0x42E0] =	vst v1  }
0x4e: {  	s17 =	simm.s32 $0x0;
	[tilespmem:$0x42F0] =	vst v1  }
0x4f: {  	[spmem:s5] =	stream.linear.scatter [tilespmem:s22], [sflag:$0x4], $0x280, $0x38;
	[tilespmem:$0x4580] =	vst v63  }
0x50: {  	s0 =	sand.u32 $0xFE, s17;
	_ =	swait.ge [sflag:s23], $0x280  }
0x51: {  	s0 =	smul.u32 $0xCD, s0;
	[sflag:s23] =	ssyncset.done $0x0  }
0x52: {  	p0 =	por $0x1, $0x1;
	[sflag:s23] =	ssyncadd.s32 $0xFFFFFD80  }
0x53: {  	s0 =	sshrl.u32 s0, $0xB;
	s1 =	sshllo.u32 s3, $0x1;
	_ =	swait.ge [sflag:s24], $0x2800  }
0x54: {  	s0 =	smul.u32 $0xA, s0;
	s31 =	sand.u32 $0xFF, s1;
	[sflag:s24] =	ssyncset.done $0x0  }
0x55: {  	s15 =	simm.s32 @!p0 $0x2;
	s31 =	smul.u32 $0xCD, s31;
	[sflag:s24] =	ssyncadd.s32 $0xFFFFD800  }
0x56: {  	s0 =	ssub.s32 $0x0, s0;
	s16 =	sand.u32 $0xFF, s3;
	[bflag:$0x0] =	sbarrier.arrive $0xFFFF  }
0x57: {  	s31 =	sshrl.u32 s31, $0xB;
	s16 =	smul.u32 $0x19A, s16;
	_ =	swait.ge @!p0 [sflag:s15], $0x80  }
0x58: {  	s17 =	sand.u32 $0xFE, s0;
	s31 =	smul.u32 $0xA, s31;
	[sflag:s15] =	ssyncset.done @!p0 $0x0  }
0x59: {  	s18 =	sshll.u32 s17, $0x7;
	[sflag:s15] =	ssyncadd.s32 @!p0 $0xFFFFFF80;
	s15 =	simm.s32 @!p0 $0x3  }
0x5a: {  	s0 =	sand.u32 $0x1F800, s16;
	s1 =	ssub.s32 s1, s31;
	_ =	swait.ge @!p0 [sflag:s15], $0x80  }
0x5b: {  	s31 =	simm.s32 $0x1;
	s1 =	sand.u32 $0xFF, s1;
	[sflag:s15] =	ssyncset.done @!p0 $0x0  }
0x5c: {  	s19 =	sor.u32 s18, s0;
	s1 =	sshll.u32 s1, $0x7;
	[sflag:s15] =	ssyncadd.s32 @!p0 $0xFFFFFF80  }
0x5d: {  	[spmem:s2] =	stream.indirect.scatter.add.f32 [tilespmem:s26], [sflag:$0x2], $0x1, s19, s25, $0xb8;
	[tilespmem:$0x4580] =	vst v63  }
.LBB2_2:
0x5e: {  	s15 =	sshll.u32 s31, $0x1  }
0x5f: {  	s0 =	sor.u32 s1, s0;
	s1 =	smov.u32 s31;
	s31 =	sadd.s32 $0x1, s31  }
0x60: {  	[spmem:s2] =	stream.indirect.scatter.add.f32 [tilespmem:s26], [sflag:$0x3], $0x1, s0, s25, $0xb8;
	[tilespmem:$0x4580] =	vst v63  }
0x61: {  	s0 =	sand.u32 $0xFE, s15  }
0x62: {  	p0 =	sne.s32 s31, $0x28;
	s16 =	sshllo.u32 s1, $0x1;
	s0 =	smul.u32 $0xCD, s0  }
0x63: {  	p1 =	seq.s32 s1, $0x0;
	s17 =	sand.u32 $0xFF, s16  }
0x64: {  	s1 =	sand.u32 $0xFF, s1;
	s17 =	smul.u32 $0xCD, s17;
	s0 =	sshrl.u32 s0, $0xB  }
0x65: {  	s18 =	simm.s32 @!p1 $0x2;
	s0 =	smul.u32 $0xA, s0  }
0x66: {  	s19 =	simm.s32 @!p1 $0x3;
	s1 =	smul.u32 $0x19A, s1;
	_ =	swait.ge @!p1 [sflag:s18], $0x80  }
0x67: {  	s17 =	sshrl.u32 s17, $0xB;
	[sflag:s18] =	ssyncset.done @!p1 $0x0;
	s0 =	ssub.s32 s15, s0  }
0x68: {  	s15 =	smul.u32 $0xA, s17;
	[sflag:s18] =	ssyncadd.s32 @!p1 $0xFFFFFF80;
	s17 =	sand.u32 $0xFE, s0  }
.Ltmp0:
0x69: {  	s0 =	sand.u32 $0x1F800, s1;
	_ =	swait.ge @!p1 [sflag:s19], $0x80;
	(pc) =	sbr.rel @p0 .LBB2_2-.Ltmp0, $4  }
0x6a: {  	s1 =	sshll.u32 s17, $0x7;
	s15 =	ssub.s32 s16, s15;
	[sflag:s19] =	ssyncset.done @!p1 $0x0  }
0x6b: {  	s1 =	sor.u32 s1, s0;
	s15 =	sand.u32 $0xFF, s15;
	[sflag:s19] =	ssyncadd.s32 @!p1 $0xFFFFFF80  }
0x6c: {  	[spmem:s2] =	stream.indirect.scatter.add.f32 [tilespmem:s26], [sflag:$0x2], $0x1, s1, s25, $0xb8;
	[tilespmem:$0x4580] =	vst v63  }
0x6d: {  	s1 =	sshll.u32 s15, $0x7  }
0x6e: {  	s0 =	sor.u32 s1, s0  }
0x6f: {  	[spmem:s2] =	stream.indirect.scatter.add.f32 [tilespmem:s26], [sflag:$0x3], $0x1, s0, s25, $0xb8;
	[tilespmem:$0x4580] =	vst v63  }
0x70: {  	_ =	swait.ge [sflag:s28], $0x80  }
0x71: {  	[sflag:s28] =	ssyncset.done $0x0  }
0x72: {  	[sflag:s28] =	ssyncadd.s32 $0xFFFFFF80  }
0x73: {  	s19 =	stileid.u32;
	_ =	swait.ge [sflag:s29], $0x80  }
0x74: {  	s31 =	sshrl.u32 s5, $0x3;
	s30 =	sadd.s32 $0x1, s30;
	[sflag:s29] =	ssyncset.done $0x0  }
0x75: {  	s0 =	sshll.u32 s19, $0x6;
	p0 =	sne.s32 s30, s7;
	[sflag:s29] =	ssyncadd.s32 $0xFFFFFF80  }
.Ltmp1:
0x76: {  	s0 =	sor.u32 $0x1C04, s0;
	[bflag:$0x0] =	sbarrier.arrive $0xFFFF;
	(pc) =	sbr.rel @p0 .LBB2_1-.Ltmp1, $4  }
0x77: {  	[hbm:s6], [sflag:s0] =	dma.local [spmem:s31], $0x50  }
0x78: {  	_ =	swait.ge [sflag:s23], $0x50  }
0x79: {  	[sflag:s23] =	ssyncset.done $0x0  }
0x7a: {  	[sflag:s23] =	ssyncadd.s32 $0xFFFFFFB0  }
0x7b: {  	_ =	sfence.sel $0x180000  }
0x7c: {  	[bflag:$0x0] =	sbarrier.arrive $0xFFFF  }
0x7d: {  	_ =	strace $0x90000047  }
0x7e: {  	s0 =	stileid.u32;
	[bflag:$0x2] =	sbarrier.arrive $0xFFFF  }
0x7f: {  	p0 =	sne.s32 s0, $0x0;
	s0 =	rddreg [dreg:$0x3]  }
0x80: {  	s0 =	sadd.s32 @!p0 $0x100000, s0  }
0x81: {  	[sflag:s0] =	ssyncadd.tile.s32 @!p0 $0x1;
	_ =	shalt  }
.Lfunc_end2:
_tile_overlayer_lowered:
.L_overlay_start_2:
0x82: {  	(tag) =	ssettag $0x2  }
0x83: {  	s0 =	rddreg [dreg:$0x0];
	s2 =	stileid.u32  }
0x84: {  	s1 =	rddreg [dreg:$0x1];
	p0 =	sne.s32 s2, $0x0  }
0x85: {  	s3 =	rddreg [dreg:$0x2];
	[bflag:$0x3] =	sbarrier.arrive $0xFFFF;
	s2 =	simm.s32 @!p0 $0x1C04  }
0x86: {  	[timem:s3], [sflag:s2] =	dma.local @!p0 [hbm:s0], s1  }
0x87: {  	s0 =	simm.s32 @!p0 $0x4  }
0x88: {  	_ =	swait.ge @!p0 [sflag:s0], s1  }
0x89: {  	s1 =	ssub.s32 @!p0 $0x0, s1;
	[sflag:s0] =	ssyncset.done @!p0 $0x0  }
0x8a: {  	[sflag:s0] =	ssyncadd.s32 @!p0 s1  }
0x8b: {  	[bflag:$0x3] =	sbarrier.arrive $0xFFFF  }
0x8c: {  	_ =	shalt  }

// kernel: kernel.9.cloned.1.call-start
scs
__scs_entry_jumppad:
0x0: {  	(pc) =	sbr.rel $0x88, $3  }
0x1: {  	(tag) =	ssettag $0x0;
	lr =	simm.s32 $0x1  }
0x2: {  	[smem:$0x3F9A] =	sst lr;
	_ =	strace $0xD0000000  }
0x3: {  	_ = 	snop  }
0x4: {  	_ = 	snop  }
0x5: {  	_ = 	snop  }
0x6: {  	_ = 	snop  }
0x7: {  	_ = 	snop  }
__scs_overlays_trampoline_lowered:
0x8: {  	[smem:$0x3FA9] =	sst s0  }
0x9: {  	[smem:$0x3FAA] =	sst s1  }
0xa: {  	[smem:$0x3FAB] =	sst s2  }
0xb: {  	[smem:$0x3FAC] =	sst s3  }
0xc: {  	[smem:$0x3FAD] =	sst s4  }
0xd: {  	[smem:$0x3FAE] =	sst s5  }
0xe: {  	[smem:$0x3FAF] =	sst s6  }
0xf: {  	[smem:$0x3FB0] =	sst s7  }
0x10: {  	[smem:$0x3FB1] =	sst s8  }
0x11: {  	[smem:$0x3FB2] =	sst s9;
	s0 =	simm.s32 @!p0 $0x0  }
0x12: {  	s1 =	sld [smem:$0x3F98];
	s0 =	simm.s32 @p0 $0x1  }
0x13: {  	[smem:$0x3FB3] =	sst s0;
	s0 =	simm.s32 @!p1 $0x0  }
0x14: {  	s2 =	sld [smem:$0x3F97];
	s0 =	simm.s32 @p1 $0x1  }
0x15: {  	[smem:$0x3FB4] =	sst s0;
	s0 =	simm.s32 @!p2 $0x0  }
0x16: {  	s3 =	sld [smem:$0x3FDB];
	s0 =	simm.s32 @p2 $0x1  }
0x17: {  	s4 =	simm.s32 $0x1BF5;
	[smem:$0x3FB6] =	sst s0  }
0x18: {  	s0 =	sld [smem:$0x3F99];
	_ =	swait.ge [sflag:s4], $0x0  }
0x19: {  	s7 =	sld [smem:$0x3F9A]  }
0x1a: {  	s8 =	sadd.s32 $0xFFFFE003, lr  }
0x1b: {  	s9 =	sadd.s32 $0xFFFFFEF7, lr;
	s5 =	simm.s32 $0xFFFFFFFF;
	p2 =	slt.u32 s8, $0xFFFFF086  }
0x1c: {  	p1 =	slt.u32 s9, $0xF7A;
	s5 =	simm.s32 @!p2 $0x0  }
0x1d: {  	s5 =	simm.s32 @p1 $0x1;
	p0 =	seq.s32 s7, s2  }
0x1e: {  	s7 =	smul.u32 @!p0 $0xF7A, s2;
	p2 =	seq.s32 @!p0 s5, $0x0  }
0x1f: {  	s9 =	smul.u32 $0xF7A, s1;
	s8 =	simm.s32 @!p0 $0x1BF5;
	p2 =	por !p2, p0  }
0x20: {  	[sflag:s8] =	ssyncset.s32 @!p0 $0xFFFFF086;
	s6 =	sadd.s32 @!p0 s3, s7;
	s7 =	simm.s32 @!p0 $0x108  }
0x21: {  	s3 =	sadd.s32 s3, s9;
	s6 =	sadd.s32 @!p0 $0x88, s6;
	s7 =	simm.s32 @p2 $0x1082  }
0x22: {  	[simem:s7], [sflag:s8] =	dma.local @!p0 [hbm:s6], $0xF7A  }
0x23: {  	s9 =	sor.u32 $0xD0000000, s2;
	s6 =	simm.s32 $0x108;
	_ =	swait.ge @!p0 [sflag:s8], $0x0  }
0x24: {  	s3 =	sadd.s32 $0x88, s3;
	s6 =	simm.s32 @!p1 $0x1082;
	[sflag:s4] =	ssyncset.s32 $0xFFFFF086  }
0x25: {  	[simem:s6], [sflag:s4] =	dma.local [hbm:s3], $0xF7A  }
0x26: {  	[smem:$0x3F9A] =	sst s1;
	(tag) =	ssettag s2;
	_ =	strace s9  }
0x27: {  	s1 =	sld [smem:$0x3FAA]  }
0x28: {  	s2 =	sld [smem:$0x3FAB]  }
0x29: {  	s4 =	sld [smem:$0x3FAD]  }
0x2a: {  	p0 =	seq.s32 s5, $0x0;
	s5 =	sld [smem:$0x3FAE]  }
0x2b: {  	s6 =	sld [smem:$0x3FAF]  }
0x2c: {  	s7 =	sld [smem:$0x3FB0]  }
0x2d: {  	s3 =	simm.s32 $0x108;
	s8 =	sld [smem:$0x3FB1]  }
0x2e: {  	s3 =	simm.s32 @!p0 $0x1082;
	s9 =	sld [smem:$0x3FB2]  }
0x2f: {  	lr =	sadd.s32 s0, s3;
	s0 =	sld [smem:$0x3FA9]  }
0x30: {  	s3 =	sld [smem:$0x3FAC]  }
0x31: {  	[smem:$0x3FB5] =	sst s10  }
0x32: {  	s10 =	sld [smem:$0x3FB3];
	_ =	sdelay $0x3  }
0x33: {  	p0 =	seq.s32 s10, $0x1;
	s10 =	sld [smem:$0x3FB5];
	_ =	sdelay $0x3  }
0x34: {  	[smem:$0x3FB5] =	sst s10  }
0x35: {  	s10 =	sld [smem:$0x3FB4];
	_ =	sdelay $0x3  }
0x36: {  	p1 =	seq.s32 s10, $0x1;
	s10 =	sld [smem:$0x3FB5];
	_ =	sdelay $0x3  }
0x37: {  	[smem:$0x3FB5] =	sst s10  }
0x38: {  	s10 =	sld [smem:$0x3FB6]  }
0x39: {  	_ = 	snop;
	(pc) =	sbr.ind lr, $3  }
0x3a: {  	_ = 	snop  }
0x3b: {  	_ = 	snop  }
0x3c: {  	p2 =	seq.s32 s10, $0x1;
	s10 =	sld [smem:$0x3FB5]  }
0x3d: {  	_ =	shalt  }
0x3e: {  	_ =	shalt  }
0x3f: {  	_ =	shalt  }
0x40: {  	_ =	shalt  }
0x41: {  	_ =	shalt  }
0x42: {  	_ =	shalt  }
0x43: {  	_ =	shalt  }
0x44: {  	_ =	shalt  }
0x45: {  	_ =	shalt  }
0x46: {  	_ =	shalt  }
0x47: {  	_ =	shalt  }
0x48: {  	_ =	shalt  }
0x49: {  	_ =	shalt  }
0x4a: {  	_ =	shalt  }
0x4b: {  	_ =	shalt  }
0x4c: {  	_ =	shalt  }
0x4d: {  	_ =	shalt  }
0x4e: {  	_ =	shalt  }
0x4f: {  	_ =	shalt  }
0x50: {  	_ =	shalt  }
0x51: {  	_ =	shalt  }
0x52: {  	_ =	shalt  }
0x53: {  	_ =	shalt  }
0x54: {  	_ =	shalt  }
0x55: {  	_ =	shalt  }
0x56: {  	_ =	shalt  }
0x57: {  	_ =	shalt  }
0x58: {  	_ =	shalt  }
0x59: {  	_ =	shalt  }
0x5a: {  	_ =	shalt  }
0x5b: {  	_ =	shalt  }
0x5c: {  	_ =	shalt  }
0x5d: {  	_ =	shalt  }
0x5e: {  	_ =	shalt  }
0x5f: {  	_ =	shalt  }
0x60: {  	_ =	shalt  }
0x61: {  	_ =	shalt  }
0x62: {  	_ =	shalt  }
0x63: {  	_ =	shalt  }
0x64: {  	_ =	shalt  }
0x65: {  	_ =	shalt  }
0x66: {  	_ =	shalt  }
0x67: {  	_ =	shalt  }
0x68: {  	_ =	shalt  }
0x69: {  	_ =	shalt  }
0x6a: {  	_ =	shalt  }
0x6b: {  	_ =	shalt  }
0x6c: {  	_ =	shalt  }
0x6d: {  	_ =	shalt  }
0x6e: {  	_ =	shalt  }
0x6f: {  	_ =	shalt  }
0x70: {  	_ =	shalt  }
0x71: {  	_ =	shalt  }
0x72: {  	_ =	shalt  }
0x73: {  	_ =	shalt  }
0x74: {  	_ =	shalt  }
0x75: {  	_ =	shalt  }
0x76: {  	_ =	shalt  }
0x77: {  	_ =	shalt  }
0x78: {  	_ =	shalt  }
0x79: {  	_ =	shalt  }
0x7a: {  	_ =	shalt  }
0x7b: {  	_ =	shalt  }
0x7c: {  	_ =	shalt  }
0x7d: {  	_ =	shalt  }
0x7e: {  	_ =	shalt  }
0x7f: {  	_ =	shalt  }
0x80: {  	_ =	shalt  }
0x81: {  	_ =	shalt  }
0x82: {  	_ =	shalt  }
0x83: {  	_ =	shalt  }
0x84: {  	_ =	shalt  }
0x85: {  	_ =	shalt  }
0x86: {  	_ =	shalt  }
0x87: {  	_ =	shalt  }
.Lfunc_end0:
.L_simem_size_0:
called_computation.1_lowered:
.L_overlay_start_0:
0x88: {  	s2 =	sld [smem:$0x3FD9]  }
0x89: {  	s3 =	sld [smem:$0x3FFE];
	_ =	sdelay $0x1  }
0x8a: {  	s1 =	srdreg.scid  }
0x8b: {  	s0 =	sand.u32 $0x1, s1  }
0x8c: {  	s14 =	sshll.u32 s0, $0xA;
	s2 =	sadd.s32 s3, s2  }
0x8d: {  	s2 =	sadd.s32 s2, s14  }
0x8e: {  	[smem:$0x3FC1] =	sst s2  }
0x8f: {  	_ = 	snop  }
0x90: {  	s2 =	sld [smem:$0x3FD0];
	_ =	sdelay $0x2  }
0x91: {  	s15 =	simm.s32 $0xA;
	s4 =	simm.s32 $0x10  }
0x92: {  	[smem:s4], [sflag:s15] =	dma.local [hbm:s2], $0x1  }
0x93: {  	_ =	swait.eq [sflag:s15], $0x1  }
0x94: {  	[sflag:s15] =	ssyncset.done $0x0  }
0x95: {  	s16 =	sld [smem:$0x10];
	[sflag:s15] =	ssyncadd.s32 $0xFFFFFFFF  }
0x96: {  	s17 =	sld [smem:$0x11];
	(tm) =	ssettm $0x1  }
0x97: {  	s18 =	sld [smem:$0x3FFB];
	_ =	sdelay $0x3  }
0x98: {  	_ =	strace s18  }
0x99: {  	s4 =	sld [smem:$0x3FFC];
	_ =	sdelay $0x3  }
0x9a: {  	_ =	strace s4  }
0x9b: {  	s4 =	sld [smem:$0x3FFD];
	_ =	sdelay $0x3  }
0x9c: {  	_ =	strace s4  }
0x9d: {  	_ =	strace $0x8FFFFFFF  }
0x9e: {  	s19 =	sld [smem:$0x3FDB];
	_ =	sdelay $0x1  }
0x9f: {  	s5 =	simm.s32 $_scs_section_size  }
0xa0: {  	s6 =	simm.s32 $_size__tile_overlayer_lowered;
	s7 =	simm.s32 $_tile_overlayer_lowered  }
0xa1: {  	s22 =	simm.s32 $0x1BFF;
	s21 =	sshll.u32 s7, $0x1;
	s4 =	sadd.s32 s5, s19  }
0xa2: {  	s8 =	simm.s32 $0x0;
	s20 =	sshll.u32 s6, $0x1;
	s6 =	sadd.s32 s21, s4  }
0xa3: {  	[timem:s8], [sflag:s22] =	dma.local [hbm:s6], s20  }
0xa4: {  	_ =	swait.ge [sflag:s22], s20  }
0xa5: {  	s5 =	ssub.s32 $0x0, s20;
	[sflag:s22] =	ssyncset.done $0x0  }
0xa6: {  	[sflag:s22] =	ssyncadd.s32 s5;
	_ =	sdelay $0x1  }
0xa7: {  	s23 =	simm.s32 $0x1B8B  }
0xa8: {  	_ =	swait.ge [sflag:s23], $0x1  }
0xa9: {  	[sflag:s23] =	ssyncset.done $0x0  }
0xaa: {  	s25 =	simm.s32 $0x1B8E;
	s24 =	sld [smem:$0x3FFE];
	[sflag:s23] =	ssyncadd.s32 $0xFFFFFFFF  }
0xab: {  	s26 =	simm.s32 $execute0_lowered;
	[smem:$0x3FD2] =	sst s25  }
0xac: {  	s6 =	sshll.u32 s26, $0x1;
	_ =	strace $0x80000049;
	[dreg:$0x1] =	wrdreg $0xFFFFFFFF  }
0xad: {  	s28 =	simm.s32 $_size_execute0_lowered;
	s4 =	sadd.s32 s4, s6;
	[dreg:$0x0] =	wrdreg $0x0  }
0xae: {  	s6 =	sshll.u32 s28, $0x1;
	[dreg:$0x2] =	wrdreg s4  }
0xaf: {  	[dreg:$0x3] =	wrdreg s6  }
0xb0: {  	[dreg:$0x4] =	wrdreg $0xC0  }
0xb1: {  	_ =	task [dreg:s8], $0x5FFFF  }
0xb2: {  	[dreg:$0x1] =	wrdreg $0xFFFFFFFF  }
0xb3: {  	[dreg:$0x0] =	wrdreg $0x60  }
0xb4: {  	[dreg:$0x2] =	wrdreg s17  }
0xb5: {  	[dreg:$0x3] =	wrdreg s24  }
0xb6: {  	[dreg:$0x4] =	wrdreg s16  }
0xb7: {  	[dreg:$0x5] =	wrdreg $0xB8000  }
0xb8: {  	[dreg:$0x6] =	wrdreg $0x9  }
0xb9: {  	_ =	task.clear_ibuf [dreg:s8], $0x7FFFF;
	_ =	strace $0x90000049  }
0xba: {  	s29 =	simm.s32 $0x9;
	_ =	strace $0x8000004B  }
0xbb: {  	_ =	swait.ge [sflag:s29], $0x1  }
0xbc: {  	[sflag:s29] =	ssyncadd.s32 $0xFFFFFFFF  }
0xbd: {  	_ =	strace $0x9000004B  }
0xbe: {  	_ =	sfence  }
0xbf: {  	s30 =	sld [smem:$0x0];
	_ =	sdelay $0x2  }
0xc0: {  	s31 =	sshll.u32 s1, $0xD;
	s1 =	sshrl.u32 s1, $0x2  }
0xc1: {  	s3 =	sand.u32 $0x4000, s31;
	s1 =	sadd.s32 s1, s30  }
0xc2: {  	s0 =	sor.u32 s3, s0;
	s1 =	sshll.u32 s1, $0x11  }
0xc3: {  	s0 =	sor.u32 s1, s0  }
0xc4: {  	s0 =	sadd.s32 $0x8F2B, s0  }
0xc5: {  	[sflag:s0] =	ssyncadd.remote.s32 $0x1  }
0xc6: {  	_ =	sfence.sel $0xFFFF  }
0xc7: {  	[dreg:$0x0] =	wrdreg $0xFFFFFFFF;
	(pc) =	sbr.abs _section_cstart, $3  }
0xc8: {  	[dreg:$0x1] =	wrdreg $0xFFFFFFFF  }
0xc9: {  	_ =	task.clear_ibuf [dreg:s8], $0x2FFFF;
	_ =	strace $0x9FFFFFFF  }
0xca: {  	(tm) =	ssettm $0x7FFFFFFF  }
0xcb: {  	_ =	shalt  }
tec
execute0_lowered:
.L_overlay_start_1:
0x0: {  	(tag) =	ssettag $0x1  }
0x1: {  	s1 =	rddreg [dreg:$0x0]  }
0x2: {  	s5 =	rddreg [dreg:$0x1]  }
0x3: {  	s6 =	rddreg [dreg:$0x2]  }
0x4: {  	s3 =	rddreg [dreg:$0x3];
	s2 =	srdreg.scid  }
0x5: {  	s0 =	stileid.u32;
	s4 =	simm.s32 $0x0;
	s15 =	simm.s32 $0x2800  }
0x6: {  	s16 =	simm.s32 $0x3800;
	s17 =	simm.s32 $0x6;
	s18 =	simm.s32 $0x5  }
0x7: {  	s19 =	simm.s32 $0x80;
	s20 =	simm.s32 $0x7800;
	s21 =	simm.s32 $0x1  }
0x8: {  	s22 =	simm.s32 $0x2;
	s23 =	simm.s32 $0x3;
	s10 =	smul.u32 $0x14000, s0  }
0x9: {  	s24 =	simm.s32 $0x4;
	s7 =	sand.u32 $0x1, s2;
	s28 =	smul.u32 $0x50000, s0  }
0xa: {  	s25 =	simm.s32 $0x0;
	[smem:$0x7FF] =	sst s4;
	s8 =	smul.u32 $0x140000, s7  }
0xb: {  	s9 =	sshll.u32 s7, $0x4;
	_ =	strace $0x8000004A;
	s7 =	ssub.s32 $0x2, s7  }
0xc: {  	s9 =	sor.u32 s0, s9;
	s29 =	sshrl.u32 s7, $0x1;
	s31 =	sshrl.u32 s28, $0x2  }
0xd: {  	s11 =	smul.u32 $0x500, s9;
	s8 =	sadd.s32 s10, s8;
	s14 =	ssub.s32 s7, s29  }
.Ltmp0:
0xe: {  	s30 =	sshll.u32 s9, $0xB;
	s7 =	sadd.s32 s31, s3;
	(pc) =	sbr.rel .LBB2_1-.Ltmp0, $4  }
0xf: {  	s8 =	sshrl.u32 s8, $0x3;
	s6 =	sadd.s32 s6, s30;
	s9 =	sadd.s32 $0x8000, s7  }
0x10: {  	s10 =	sadd.s32 $0xC000, s7;
	s14 =	smax.u32 s14, $0x1;
	s11 =	sadd.s32 s11, s5  }
0x11: {  	s13 =	sadd.s32 s8, s5;
	s8 =	sadd.s32 $0x4000, s7;
	s12 =	sadd.s32 $0x100, s6  }
0x12: {  	v0 =	vimm.f32 $0.0e+00;
	s5 =	sadd.s32 $0x2000, s11;
	s11 =	sadd.s32 $0x10000, s7;
	s13 =	sadd.s32 $0xC000, s13  }
.LBB2_6:
0x13: {  	_ =	swait.ge [sflag:s24], $0x4000;
	s0 =	stileid.u32  }
0x14: {  	s2 =	sshrl.u32 s7, $0x3;
	s25 =	sadd.s32 $0x1, s25;
	[sflag:s24] =	ssyncset.done $0x0  }
0x15: {  	s0 =	sshll.u32 s0, $0x6;
	p0 =	sne.s32 s25, s14;
	[sflag:s24] =	ssyncadd.s32 $0xFFFFC000  }
.Ltmp1:
0x16: {  	s0 =	sor.u32 $0x1C06, s0;
	[bflag:$0x0] =	sbarrier.arrive $0xFFFF;
	(pc) =	sbr.rel @!p0 .LBB2_7-.Ltmp1, $4  }
0x17: {  	[hbm:s13], [sflag:s0] =	dma.local [spmem:s2], $0x2800  }
0x18: {  	_ =	swait.ge [sflag:s17], $0x2800  }
0x19: {  	[sflag:s17] =	ssyncset.done $0x0  }
0x1a: {  	[sflag:s17] =	ssyncadd.s32 $0xFFFFD800  }
.LBB2_1:
0x1b: {  	[tilespmem:s4], [sflag:$0x5] =	stream.linear.gather [hbm4b:s5+s4], $0x2800, $0x38;
	[tilespmem:$0x1F800] =	vst v63  }
0x1c: {  	s26 =	sand.u32 $0xFE00, s4  }
0x1d: {  	s28 =	sand.u32 $0x70, s4;
	s29 =	sshrl.u32 s26, $0x2  }
0x1e: {  	[tilespmem:s15], [sflag:$0x5] =	stream.linear.gather [hbm4b:s6+s4], $0x500, $0x38;
	[tilespmem:$0x1F800] =	vst v63  }
0x1f: {  	s26 =	simm.s32 $0x40;
	s29 =	sor.u32 s28, s29;
	s28 =	simm.s32 $0x0  }
.LBB2_2:
0x20: {  	p0 =	sne.s32 s26, $0xFFC0  }
0x21: {  	[tilespmem:s29+$0x3800] =	vst v0;
	s28 =	sadd.s32 $0x10, s28;
	s29 =	smov.u32 s26;
	s26 =	sadd.s32 $0x40, s26  }
.Ltmp2:
0x22: {  	(pc) =	sbr.rel @p0 .LBB2_2-.Ltmp2, $4  }
0x23: {  	_ = 	snop  }
0x24: {  	s29 =	sand.u32 $0xFE00, s29  }
0x25: {  	s30 =	sand.u32 $0x70, s28;
	s29 =	sshrl.u32 s29, $0x2  }
0x26: {  	s29 =	sor.u32 s30, s29  }
0x27: {  	[tilespmem:s29+$0x3800] =	vst v0  }
0x28: {  	[spmem:s7] =	stream.linear.scatter [tilespmem:s16], [sflag:$0x6], $0x4000, $0x38;
	[tilespmem:$0x1F800] =	vst v63  }
0x29: {  	_ =	swait.ge [sflag:s17], $0x4000  }
0x2a: {  	[sflag:s17] =	ssyncset.done $0x0  }
0x2b: {  	[sflag:s17] =	ssyncadd.s32 $0xFFFFC000  }
0x2c: {  	[spmem:s8] =	stream.linear.scatter [tilespmem:s16], [sflag:$0x6], $0x4000, $0x38;
	[tilespmem:$0x1F800] =	vst v63  }
0x2d: {  	_ =	swait.ge [sflag:s17], $0x4000  }
0x2e: {  	[sflag:s17] =	ssyncset.done $0x0  }
0x2f: {  	[sflag:s17] =	ssyncadd.s32 $0xFFFFC000  }
0x30: {  	[spmem:s9] =	stream.linear.scatter [tilespmem:s16], [sflag:$0x6], $0x4000, $0x38;
	[tilespmem:$0x1F800] =	vst v63  }
0x31: {  	_ =	swait.ge [sflag:s17], $0x4000  }
0x32: {  	[sflag:s17] =	ssyncset.done $0x0  }
0x33: {  	[sflag:s17] =	ssyncadd.s32 $0xFFFFC000  }
0x34: {  	[spmem:s10] =	stream.linear.scatter [tilespmem:s16], [sflag:$0x6], $0x4000, $0x38;
	[tilespmem:$0x1F800] =	vst v63  }
0x35: {  	_ =	swait.ge [sflag:s17], $0x4000  }
0x36: {  	[sflag:s17] =	ssyncset.done $0x0  }
0x37: {  	[sflag:s17] =	ssyncadd.s32 $0xFFFFC000  }
0x38: {  	[spmem:s11] =	stream.linear.scatter [tilespmem:s16], [sflag:$0x6], $0x4000, $0x38;
	[tilespmem:$0x1F800] =	vst v63  }
0x39: {  	_ =	swait.ge [sflag:s17], $0x4000  }
0x3a: {  	[sflag:s17] =	ssyncset.done $0x0  }
0x3b: {  	[sflag:s17] =	ssyncadd.s32 $0xFFFFC000  }
0x3c: {  	_ =	swait.ge [sflag:s18], $0x2800  }
0x3d: {  	[sflag:s18] =	ssyncset.done $0x0  }
0x3e: {  	[sflag:s18] =	ssyncadd.s32 $0xFFFFD800  }
0x3f: {  	_ =	swait.ge [sflag:s18], $0x500  }
0x40: {  	[sflag:s18] =	ssyncset.done $0x0  }
0x41: {  	[sflag:s18] =	ssyncadd.s32 $0xFFFFFB00  }
0x42: {  	s26 =	simm.s32 $0x0;
	[bflag:$0x0] =	sbarrier.arrive $0xFFFF  }
0x43: {  	[tilespmem:s16], [sflag:$0x1] =	stream.indirect.gather [hbm4b:s1+s19], $0x80, s26, s19, $0xb8;
	[tilespmem:$0x1F800] =	vst v63  }
0x44: {  	s28 =	simm.s32 $0x180  }
0x45: {  	[tilespmem:s20], [sflag:$0x2] =	stream.indirect.gather [hbm4b:s1+s19], $0x80, s19, s19, $0xb8;
	[tilespmem:$0x1F800] =	vst v63  }
.LBB2_4:
0x46: {  	s29 =	smul.u32 $0xCD, s26;
	_ =	sdelay $0x1  }
0x47: {  	s29 =	sshrl.u32 s29, $0xA  }
0x48: {  	s30 =	sand.u32 $0x3F, s29  }
0x49: {  	s31 =	smul.u32 $0x5, s30;
	_ =	sdelay $0x1  }
0x4a: {  	p0 =	sgt.u32 s26, $0x22;
	s31 =	ssub.s32 s26, s31  }
0x4b: {  	s0 =	sand.u32 @!p0 $0xFF, s31  }
0x4c: {  	p1 =	sne.s32 @!p0 s0, $0x0  }
0x4d: {  	s0 =	sand.u32 $0x1, s29;
	p0 =	por p1, p0  }
0x4e: {  	s29 =	sshll.u32 @!p0 s0, $0xB  }
0x4f: {  	s30 =	sshll.u32 @!p0 s30, $0x8;
	s29 =	sxor.u32 @!p0 $0x800, s29  }
0x50: {  	s2 =	simm.s32 @!p0 $0x0;
	s30 =	sadd.s32 @!p0 s30, s12;
	s29 =	sadd.s32 @!p0 $0x2800, s29  }
0x51: {  	[tilespmem:s29], [sflag:$0x5] =	stream.linear.gather @!p0 [hbm4b:s30+s2], $0x500, $0x38;
	[tilespmem:$0x1F800] =	vst v63  }
0x52: {  	p0 =	slt.u32 s26, $0x5  }
0x53: {  	s2 =	sand.u32 @!p0 $0xFF, s31  }
0x54: {  	p1 =	sne.s32 @!p0 s2, $0x0  }
0x55: {  	p0 =	por p1, p0  }
0x56: {  	s2 =	simm.s32 @!p0 $0x5  }
0x57: {  	_ =	swait.ge @!p0 [sflag:s2], $0x500  }
0x58: {  	[sflag:s2] =	ssyncset.done @!p0 $0x0  }
0x59: {  	s30 =	sand.u32 $0xFF, s31;
	[sflag:s2] =	ssyncadd.s32 @!p0 $0xFFFFFB00  }
0x5a: {  	s0 =	sshll.u32 s0, $0xB;
	s31 =	sshll.u32 s30, $0x8;
	_ =	swait.ge [sflag:s21], $0x4000  }
0x5b: {  	s0 =	sadd.s32 s31, s0;
	[sflag:s21] =	ssyncset.done $0x0  }
0x5c: {  	s2 =	sadd.s32 $0x2800, s0;
	[sflag:s21] =	ssyncadd.s32 $0xFFFFC000  }
0x5d: {  	[spmem:s3] =	stream.indirect.scatter.add.f32 [tilespmem:s16], [sflag:$0x3], $0x80, s2, s19, $0xb8;
	[tilespmem:$0x1F800] =	vst v63  }
0x5e: {  	_ =	swait.ge [sflag:s22], $0x4000  }
0x5f: {  	p0 =	seq.s32 s26, $0x27;
	[sflag:s22] =	ssyncset.done $0x0  }
.Ltmp3:
0x60: {  	s0 =	sadd.s32 $0x2880, s0;
	[sflag:s22] =	ssyncadd.s32 $0xFFFFC000;
	(pc) =	sbr.rel @p0 .LBB2_6-.Ltmp3, $4  }
0x61: {  	[spmem:s3] =	stream.indirect.scatter.add.f32 [tilespmem:s20], [sflag:$0x4], $0x80, s0, s19, $0xb8;
	[tilespmem:$0x1F800] =	vst v63  }
0x62: {  	_ =	swait.ge [sflag:s23], $0x4000  }
0x63: {  	[sflag:s23] =	ssyncset.done $0x0  }
0x64: {  	[sflag:s23] =	ssyncadd.s32 $0xFFFFC000  }
0x65: {  	s0 =	sadd.s32 $0xFFFFFF80, s28  }
0x66: {  	[tilespmem:s16], [sflag:$0x1] =	stream.indirect.gather [hbm4b:s1+s19], $0x80, s0, s19, $0xb8;
	[tilespmem:$0x1F800] =	vst v63  }
.Ltmp4:
0x67: {  	_ =	swait.ge [sflag:s24], $0x4000;
	(pc) =	sbr.rel .LBB2_4-.Ltmp4, $4  }
0x68: {  	[sflag:s24] =	ssyncset.done $0x0  }
0x69: {  	[sflag:s24] =	ssyncadd.s32 $0xFFFFC000  }
0x6a: {  	[tilespmem:s20], [sflag:$0x2] =	stream.indirect.gather [hbm4b:s1+s19], $0x80, s28, s19, $0xb8;
	[tilespmem:$0x1F800] =	vst v63  }
0x6b: {  	s26 =	sadd.s32 $0x1, s26;
	s28 =	sadd.s32 $0x100, s28  }
.LBB2_7:
0x6c: {  	_ =	sfence.sel $0x180000  }
0x6d: {  	[bflag:$0x0] =	sbarrier.arrive $0xFFFF  }
0x6e: {  	_ =	strace $0x9000004A  }
0x6f: {  	s0 =	stileid.u32;
	[bflag:$0x2] =	sbarrier.arrive $0xFFFF  }
0x70: {  	p0 =	sne.s32 s0, $0x0;
	s0 =	rddreg [dreg:$0x4]  }
0x71: {  	s0 =	sadd.s32 @!p0 $0x100000, s0  }
0x72: {  	[sflag:s0] =	ssyncadd.tile.s32 @!p0 $0x1;
	_ =	shalt  }
.Lfunc_end2:
_tile_overlayer_lowered:
.L_overlay_start_2:
0x73: {  	(tag) =	ssettag $0x2  }
0x74: {  	s0 =	rddreg [dreg:$0x0];
	s2 =	stileid.u32  }
0x75: {  	s1 =	rddreg [dreg:$0x1];
	p0 =	sne.s32 s2, $0x0  }
0x76: {  	s3 =	rddreg [dreg:$0x2];
	[bflag:$0x3] =	sbarrier.arrive $0xFFFF;
	s2 =	simm.s32 @!p0 $0x1C06  }
0x77: {  	[timem:s3], [sflag:s2] =	dma.local @!p0 [hbm:s0], s1  }
0x78: {  	s0 =	simm.s32 @!p0 $0x6  }
0x79: {  	_ =	swait.ge @!p0 [sflag:s0], s1  }
0x7a: {  	s1 =	ssub.s32 @!p0 $0x0, s1;
	[sflag:s0] =	ssyncset.done @!p0 $0x0  }
0x7b: {  	[sflag:s0] =	ssyncadd.s32 @!p0 s1  }
0x7c: {  	[bflag:$0x3] =	sbarrier.arrive $0xFFFF  }
0x7d: {  	_ =	shalt  }

</sc_bundles>
